<compile_context>
chip_gen: v7x
topology: tpu7x:2x2x1
jax: 0.10.2.dev20260603
libtpu: 0.0.44.dev20260713+nightly
codegen_flags: <defaults>
</compile_context>

<pallas_src>
import functools

import jax
import jax.numpy as jnp
from jax import lax
from jax.experimental import pallas as pl
from jax.experimental.pallas import tpu as pltpu
from jax.experimental.pallas import tpu_sc as plsc

N_NODES = 10000
N_EDGES = 160000
D_FEAT = 256
DP = D_FEAT // 2
H1 = 1024
H2 = 512

_SEGS = (12800, 25600, 38400, 44800, 38400)
_STARTS = (0, 12800, 38400, 76800, 121600)
_NSEG = len(_SEGS)

_NC = 2
_NS = 16
_NW = _NC * _NS

_CHUNK = 200



_PB = 1000


def _pack_body(x_ref, out_ref):
    lo = lax.bitcast_convert_type(
        x_ref[:, :DP].astype(jnp.bfloat16), jnp.uint16).astype(jnp.int32)
    hi = lax.bitcast_convert_type(
        x_ref[:, DP:].astype(jnp.bfloat16), jnp.uint16).astype(jnp.int32)
    out_ref[...] = (hi << 16) | lo


_pack = pl.pallas_call(
    _pack_body,
    grid=(N_NODES // _PB,),
    in_specs=[pl.BlockSpec((_PB, D_FEAT), lambda i: (i, 0))],
    out_specs=pl.BlockSpec((_PB, DP), lambda i: (i, 0)),
    out_shape=jax.ShapeDtypeStruct((N_NODES, DP), jnp.int32),
)




def _sc_gather_body(seg, x_hbm, idx_hbm, out_hbm, idx_v, rows_v, tab_sh, sem):
    eseg = _SEGS[seg]
    rows_per_w = (2 * eseg) // _NW
    nchunk = rows_per_w // _CHUNK
    wid = lax.axis_index("s") * _NC + lax.axis_index("c")
    out_base = wid * rows_per_w
    half = wid // (_NW // 2)
    in_base = (half * N_EDGES + _STARTS[seg]
               + (wid % (_NW // 2)) * rows_per_w)

    @pl.when(lax.axis_index("s") == 0)
    def _stage():
        pltpu.sync_copy(x_hbm, tab_sh)

    pltpu.sync_copy(idx_hbm.at[pl.ds(in_base, rows_per_w)], idx_v)
    plsc.subcore_barrier()

    def chunk(c, carry):
        off = c * _CHUNK
        pltpu.async_copy(tab_sh.at[idx_v.at[pl.ds(off, _CHUNK)]], rows_v, sem).wait()
        pltpu.sync_copy(rows_v, out_hbm.at[pl.ds(out_base + off, _CHUNK)])
        return carry

    lax.fori_loop(0, nchunk, chunk, 0)


def _mk_sc_gather(seg):
    rows_per_w = (2 * _SEGS[seg]) // _NW
    return functools.partial(
        pl.kernel,
        mesh=plsc.VectorSubcoreMesh(core_axis_name="c", subcore_axis_name="s"),
        out_type=jax.ShapeDtypeStruct((2 * _SEGS[seg], DP), jnp.int32),
        scratch_types=[
            pltpu.VMEM((rows_per_w,), jnp.int32),
            pltpu.VMEM((_CHUNK, DP), jnp.int32),
            pltpu.VMEM_SHARED((N_NODES, DP), jnp.int32),
            pltpu.SemaphoreType.DMA,
        ],
    )(functools.partial(_sc_gather_body, seg))


_sc_gathers = [_mk_sc_gather(s) for s in range(_NSEG)]



_BE = 1600


def _unpack(g32):
    lo = lax.bitcast_convert_type(g32 << 16, jnp.float32)
    hi = lax.bitcast_convert_type(g32 & jnp.int32(-65536), jnp.float32)
    return lo.astype(jnp.bfloat16), hi.astype(jnp.bfloat16)


def _mlp_body(src_ref, dst_ref, w1_ref, b1_ref, w2_ref, b2_ref, out_ref):
    sl, sh = _unpack(src_ref[...])
    dl, dh = _unpack(dst_ref[...])
    feat = jnp.concatenate([sl, sh, dl, dh], axis=1)
    h = jnp.dot(feat, w1_ref[...], preferred_element_type=jnp.float32)
    h = jnp.maximum(h + b1_ref[...], 0.0).astype(jnp.bfloat16)
    o = jnp.dot(h, w2_ref[...], preferred_element_type=jnp.float32)
    out_ref[...] = jnp.maximum(o + b2_ref[...], 0.0)


def _mlp_body_acc(src_ref, dst_ref, w1_ref, b1_ref, w2_ref, b2_ref,
                  acc_ref, out_ref):
    del acc_ref
    _mlp_body(src_ref, dst_ref, w1_ref, b1_ref, w2_ref, b2_ref, out_ref)


def _mk_mlp(seg, acc):
    nb = _SEGS[seg] // _BE
    blk0 = _STARTS[seg] // _BE
    in_specs = [
        pl.BlockSpec((_BE, DP), lambda i: (i, 0)),
        pl.BlockSpec((_BE, DP), lambda i, nb=nb: (i + nb, 0)),
        pl.BlockSpec((2 * D_FEAT, H1), lambda i: (0, 0)),
        pl.BlockSpec((1, H1), lambda i: (0, 0)),
        pl.BlockSpec((H1, H2), lambda i: (0, 0)),
        pl.BlockSpec((1, H2), lambda i: (0, 0)),
    ]
    kwargs = {}
    if acc:
        in_specs.append(pl.BlockSpec(memory_space=pl.ANY))
        kwargs["input_output_aliases"] = {6: 0}
    return pl.pallas_call(
        _mlp_body_acc if acc else _mlp_body,
        grid=(nb,),
        in_specs=in_specs,
        out_specs=pl.BlockSpec((_BE, H2), lambda i, blk0=blk0: (i + blk0, 0)),
        out_shape=jax.ShapeDtypeStruct((N_EDGES, H2), jnp.float32),
        compiler_params=pltpu.CompilerParams(
            dimension_semantics=("arbitrary",),
        ),
        **kwargs,
    )


_mlps = [_mk_mlp(s, s > 0) for s in range(_NSEG)]


def kernel(x, edge_index, W1, b1, W2, b2):
    xi = _pack(x)
    w1 = W1.astype(jnp.bfloat16)
    w2 = W2.astype(jnp.bfloat16)
    b1r = b1.reshape(1, H1)
    b2r = b2.reshape(1, H2)
    idx_flat = edge_index.reshape(-1)
    gaths = [_sc_gathers[s](xi, idx_flat) for s in range(_NSEG)]
    out = _mlps[0](gaths[0], gaths[0], w1, b1r, w2, b2r)
    for s in range(1, _NSEG):
        out = _mlps[s](gaths[s], gaths[s], w1, b1r, w2, b2r, out)
    return out

# --- scband reference (transcript-rebuilt; emitter-appended) ---
"""Pipeline reference for scband-h-h-edge-apply-moudle-29832842838637 (READ-ONLY COPY).

The authoritative reference and input builder live on the scoring server;
editing this copy changes nothing except your own understanding.
"""

import jax, jax.numpy as jnp
import numpy as np

N_NODES = 10000
N_EDGES = 160000
D_FEAT = 256
H1 = 1024
H2 = 512

def setup_inputs(seed: int = 0) -> dict:
    key = jax.random.key(seed)
    k1, k2, k3, k4 = jax.random.split(key, 4)
    x = jax.random.normal(k1, (N_NODES, D_FEAT), dtype=jnp.float32)
    edge_index = jax.random.randint(k2, (2, N_EDGES), 0, N_NODES, dtype=jnp.int32)
    # MLP params per CONFIG.G_E_L_S = [512, 1024, 512] (input = 2*D_FEAT = 512)
    W1 = jax.random.normal(k3, (2 * D_FEAT, H1), dtype=jnp.float32) * 0.02
    b1 = jnp.zeros((H1,), dtype=jnp.float32)
    W2 = jax.random.normal(k4, (H1, H2), dtype=jnp.float32) * 0.02
    b2 = jnp.zeros((H2,), dtype=jnp.float32)
    return {"x": x, "edge_index": edge_index, "W1": W1, "b1": b1, "W2": W2, "b2": b2}

def reference(x, edge_index, W1, b1, W2, b2):
    # edge.src['n_f'] / edge.dst['n_f'] = gather node features by edge endpoints
    src_f = jnp.take(x, edge_index[0], axis=0)
    dst_f = jnp.take(x, edge_index[1], axis=0)
    feat = jnp.concatenate([src_f, dst_f], axis=1)
    # edge_fc MLP: Linear -> ReLU -> Linear -> ReLU (G_E_A = ['ReLU','ReLU'], no BN, no dropout)
    h = jax.nn.relu(jnp.dot(feat, W1) + b1)
    e_f = jax.nn.relu(jnp.dot(h, W2) + b2)
    return e_f

if __name__ == "__main__":
    import jax
    _d = setup_inputs()
    print(jax.jit(kernel)(*tuple(_d.values())))

</pallas_src>

<mosaic_0001>
#map = affine_map<(d0, d1) -> (0, 0)>
#map1 = affine_map<(d0, d1) -> (0)>
module attributes {stable_mosaic.version = 14 : i64} {
  func.func @_sc_gather_body(%arg0: i32, %arg1: i32, %arg2: memref<10000x128xi32, #tpu.memory_space<hbm>>, %arg3: memref<320000xi32, #tpu.memory_space<hbm>>, %arg4: memref<89600x128xi32, #tpu.memory_space<hbm>>, %arg5: memref<2800xi32, #tpu.memory_space<vmem>>, %arg6: memref<200x128xi32, #tpu.memory_space<vmem>>, %arg7: memref<10000x128xi32, #tpu.memory_space<vmem_shared>>, %arg8: memref<!tpu.dma_semaphore, #tpu.memory_space<semaphore_mem>>) attributes {dimension_semantics = [#tpu.dimension_semantics<core_parallel>, #tpu.dimension_semantics<subcore_parallel>], iteration_bounds = array<i64: 2, 16>, scalar_prefetch = 0 : i64, scratch_operands = 4 : i64, tpu.core_type = #tpu.core_type<sc_vector_subcore>, window_params = [{transform_indices = #map}, {transform_indices = #map1}, {transform_indices = #map}]} {
    %mul3A = arith.constant 2 : i32
    %mul3A_0 = arith.muli %arg1, %mul3A : i32
    %add3A = arith.addi %mul3A_0, %arg0 : i32
    %mul3A_1 = arith.constant 2800 : i32
    %mul3A_2 = arith.muli %add3A, %mul3A_1 : i32
    %jit3A = arith.constant 16 : i32
    %div3A = arith.divsi %add3A, %jit3A : i32
    %sign3A = arith.constant 0 : i32
    %sign3A_3 = arith.cmpi sgt, %add3A, %sign3A : i32
    %sign3A_4 = arith.extui %sign3A_3 : i1 to i32
    %sign3A_5 = arith.constant 0 : i32
    %sign3A_6 = arith.cmpi slt, %add3A, %sign3A_5 : i32
    %sign3A_7 = arith.extui %sign3A_6 : i1 to i32
    %sign3A_8 = arith.subi %sign3A_4, %sign3A_7 : i32
    %sign3A_9 = arith.constant 0 : i32
    %sign3A_10 = arith.cmpi sgt, %jit3A, %sign3A_9 : i32
    %sign3A_11 = arith.extui %sign3A_10 : i1 to i32
    %sign3A_12 = arith.constant 0 : i32
    %sign3A_13 = arith.cmpi slt, %jit3A, %sign3A_12 : i32
    %sign3A_14 = arith.extui %sign3A_13 : i1 to i32
    %sign3A_15 = arith.subi %sign3A_11, %sign3A_14 : i32
    %ne3A = arith.cmpi ne, %sign3A_8, %sign3A_15 : i32
    %rem3A = arith.remsi %add3A, %jit3A : i32
    %ne3A_16 = arith.constant 0 : i32
    %ne3A_17 = arith.cmpi ne, %rem3A, %ne3A_16 : i32
    %and3A = arith.andi %ne3A, %ne3A_17 : i1
    %sub3A = arith.constant 1 : i32
    %sub3A_18 = arith.subi %div3A, %sub3A : i32
    %select_n3A = arith.select %and3A, %sub3A_18, %div3A : i32
    %mul3A_19 = arith.constant 160000 : i32
    %mul3A_20 = arith.muli %select_n3A, %mul3A_19 : i32
    %add3A_21 = arith.constant 76800 : i32
    %add3A_22 = arith.addi %mul3A_20, %add3A_21 : i32
    %jit3A_23 = arith.constant 16 : i32
    %eq3A = arith.constant 0 : i32
    %eq3A_24 = arith.cmpi eq, %jit3A_23, %eq3A : i32
    %jit3A_25 = arith.constant 1 : i32
    %select_n3A_26 = arith.select %eq3A_24, %jit3A_25, %jit3A_23 : i32
    %rem3A_27 = arith.remsi %add3A, %select_n3A_26 : i32
    %ne3A_28 = arith.constant 0 : i32
    %ne3A_29 = arith.cmpi ne, %rem3A_27, %ne3A_28 : i32
    %lt3A = arith.constant 0 : i32
    %lt3A_30 = arith.cmpi slt, %rem3A_27, %lt3A : i32
    %lt3A_31 = arith.constant 0 : i32
    %lt3A_32 = arith.cmpi slt, %select_n3A_26, %lt3A_31 : i32
    %ne3A_33 = arith.xori %lt3A_30, %lt3A_32 : i1
    %and3A_34 = arith.andi %ne3A_33, %ne3A_29 : i1
    %add3A_35 = arith.addi %rem3A_27, %select_n3A_26 : i32
    %select_n3A_36 = arith.select %and3A_34, %add3A_35, %rem3A_27 : i32
    %mul3A_37 = arith.constant 2800 : i32
    %mul3A_38 = arith.muli %select_n3A_36, %mul3A_37 : i32
    %add3A_39 = arith.addi %add3A_22, %mul3A_38 : i32
    %eq3A_40 = arith.constant 0 : i32
    %eq3A_41 = arith.cmpi eq, %arg1, %eq3A_40 : i32
    %convert_element_type3A = arith.extui %eq3A_41 : i1 to i32
    %cond3A = arith.constant 0 : i32
    %cond3A_42 = arith.cmpi ne, %convert_element_type3A, %cond3A : i32
    scf.if %cond3A_42 {
      "tpu.region"() ({
        %run_scoped3A = tpu.sem_alloc : memref<!tpu.dma_semaphore, #tpu.memory_space<semaphore_mem>>
        tpu.enqueue_dma source(%arg2 : memref<10000x128xi32, #tpu.memory_space<hbm>>) target(%arg7 : memref<10000x128xi32, #tpu.memory_space<vmem_shared>>) target_semaphore(%run_scoped3A : memref<!tpu.dma_semaphore, #tpu.memory_space<semaphore_mem>>)
        tpu.wait_dma2 semaphore(%run_scoped3A : memref<!tpu.dma_semaphore, #tpu.memory_space<semaphore_mem>>) src(%arg2 : memref<10000x128xi32, #tpu.memory_space<hbm>>) dst(%arg7 : memref<10000x128xi32, #tpu.memory_space<vmem_shared>>)
        tpu.yield
      }) : () -> ()
    } else {
    }
    "tpu.region"() ({
      %run_scoped3A = tpu.sem_alloc : memref<!tpu.dma_semaphore, #tpu.memory_space<semaphore_mem>>
      %dma_start3A = tpu.memref_slice %arg3[%add3A_39] : memref<320000xi32, #tpu.memory_space<hbm>> -> memref<2800xi32, #tpu.memory_space<hbm>>
      %dma_start3A_48 = tpu.memref_slice %arg3[%add3A_39] : memref<320000xi32, #tpu.memory_space<hbm>> -> memref<2800xi32, #tpu.memory_space<hbm>>
      tpu.enqueue_dma source(%dma_start3A_48 : memref<2800xi32, #tpu.memory_space<hbm>>) target(%arg5 : memref<2800xi32, #tpu.memory_space<vmem>>) target_semaphore(%run_scoped3A : memref<!tpu.dma_semaphore, #tpu.memory_space<semaphore_mem>>)
      %dma_wait3A = tpu.memref_slice %arg3[%add3A_39] : memref<320000xi32, #tpu.memory_space<hbm>> -> memref<2800xi32, #tpu.memory_space<hbm>>
      %dma_wait3A_49 = tpu.memref_slice %arg3[%add3A_39] : memref<320000xi32, #tpu.memory_space<hbm>> -> memref<2800xi32, #tpu.memory_space<hbm>>
      tpu.wait_dma2 semaphore(%run_scoped3A : memref<!tpu.dma_semaphore, #tpu.memory_space<semaphore_mem>>) src(%dma_wait3A_49 : memref<2800xi32, #tpu.memory_space<hbm>>) dst(%arg5 : memref<2800xi32, #tpu.memory_space<vmem>>)
      tpu.yield
    }) : () -> ()
    %barrier3A = arith.constant 0 : index
    tpu.barrier barrier_id(%barrier3A)
    %scan3A = arith.constant 0 : i32
    %scan3A_43 = arith.constant 0 : i32
    %scan3A_44 = arith.constant 14 : i32
    %scan3A_45 = arith.addi %scan3A_43, %scan3A_44 : i32
    %scan3A_46 = arith.constant 1 : i32
    scf.for %scan3A_48 = %scan3A_43 to %scan3A_45 step %scan3A_46  : i32 {
      %mul3A_49 = arith.constant 200 : i32
      %mul3A_50 = arith.muli %scan3A_48, %mul3A_49 : i32
      %dma_start3A = tpu.memref_slice %arg5[%mul3A_50] : memref<2800xi32, #tpu.memory_space<vmem>> -> memref<200xi32, #tpu.memory_space<vmem>>
      %dma_start3A_51 = arith.constant 0 : i32
      %dma_start3A_52 = arith.constant 0 : i32
      %dma_start3A_53 = tpu.memref_slice %arg7[%dma_start3A_51, %dma_start3A_52] : memref<10000x128xi32, #tpu.memory_space<vmem_shared>> -> memref<10000x128xi32, #tpu.memory_space<vmem_shared>>
      tpu.enqueue_indirect_dma source(%dma_start3A_53 : memref<10000x128xi32, #tpu.memory_space<vmem_shared>>) target(%arg6 : memref<200x128xi32, #tpu.memory_space<vmem>>) offsets(%dma_start3A : memref<200xi32, #tpu.memory_space<vmem>>) semaphore(%arg8 : memref<!tpu.dma_semaphore, #tpu.memory_space<semaphore_mem>>)
      %dma_wait3A = tpu.memref_slice %arg5[%mul3A_50] : memref<2800xi32, #tpu.memory_space<vmem>> -> memref<200xi32, #tpu.memory_space<vmem>>
      %dma_wait3A_54 = arith.constant 0 : i32
      %dma_wait3A_55 = arith.constant 0 : i32
      %dma_wait3A_56 = tpu.memref_slice %arg7[%dma_wait3A_54, %dma_wait3A_55] : memref<10000x128xi32, #tpu.memory_space<vmem_shared>> -> memref<10000x128xi32, #tpu.memory_space<vmem_shared>>
      tpu.wait_indirect_dma semaphore(%arg8 : memref<!tpu.dma_semaphore, #tpu.memory_space<semaphore_mem>>) src(%dma_wait3A_56 : memref<10000x128xi32, #tpu.memory_space<vmem_shared>>) dst(%arg6 : memref<200x128xi32, #tpu.memory_space<vmem>>)
      %add3A_57 = arith.addi %mul3A_2, %mul3A_50 : i32
      "tpu.region"() ({
        %run_scoped3A = tpu.sem_alloc : memref<!tpu.dma_semaphore, #tpu.memory_space<semaphore_mem>>
        %dma_start3A_58 = arith.constant 0 : i32
        %dma_start3A_59 = tpu.memref_slice %arg4[%add3A_57, %dma_start3A_58] : memref<89600x128xi32, #tpu.memory_space<hbm>> -> memref<200x128xi32, #tpu.memory_space<hbm>>
        %dma_start3A_60 = arith.constant 0 : i32
        %dma_start3A_61 = tpu.memref_slice %arg4[%add3A_57, %dma_start3A_60] : memref<89600x128xi32, #tpu.memory_space<hbm>> -> memref<200x128xi32, #tpu.memory_space<hbm>>
        tpu.enqueue_dma source(%arg6 : memref<200x128xi32, #tpu.memory_space<vmem>>) target(%dma_start3A_61 : memref<200x128xi32, #tpu.memory_space<hbm>>) target_semaphore(%run_scoped3A : memref<!tpu.dma_semaphore, #tpu.memory_space<semaphore_mem>>)
        %dma_wait3A_62 = arith.constant 0 : i32
        %dma_wait3A_63 = tpu.memref_slice %arg4[%add3A_57, %dma_wait3A_62] : memref<89600x128xi32, #tpu.memory_space<hbm>> -> memref<200x128xi32, #tpu.memory_space<hbm>>
        %dma_wait3A_64 = arith.constant 0 : i32
        %dma_wait3A_65 = tpu.memref_slice %arg4[%add3A_57, %dma_wait3A_64] : memref<89600x128xi32, #tpu.memory_space<hbm>> -> memref<200x128xi32, #tpu.memory_space<hbm>>
        tpu.wait_dma2 semaphore(%run_scoped3A : memref<!tpu.dma_semaphore, #tpu.memory_space<semaphore_mem>>) src(%arg6 : memref<200x128xi32, #tpu.memory_space<vmem>>) dst(%dma_wait3A_65 : memref<200x128xi32, #tpu.memory_space<hbm>>)
        tpu.yield
      }) : () -> ()
    }
    %scan3A_47 = arith.constant 14 : i32
    return
  }
}

#map = affine_map<(d0, d1) -> (0, 0)>
#map1 = affine_map<(d0, d1) -> (0)>
module attributes {stable_mosaic.version = 14 : i64} {
  func.func @_sc_gather_body(%arg0: i32, %arg1: i32, %arg2: memref<10000x128xi32, #tpu.memory_space<hbm>>, %arg3: memref<320000xi32, #tpu.memory_space<hbm>>, %arg4: memref<25600x128xi32, #tpu.memory_space<hbm>>, %arg5: memref<800xi32, #tpu.memory_space<vmem>>, %arg6: memref<200x128xi32, #tpu.memory_space<vmem>>, %arg7: memref<10000x128xi32, #tpu.memory_space<vmem_shared>>, %arg8: memref<!tpu.dma_semaphore, #tpu.memory_space<semaphore_mem>>) attributes {dimension_semantics = [#tpu.dimension_semantics<core_parallel>, #tpu.dimension_semantics<subcore_parallel>], iteration_bounds = array<i64: 2, 16>, scalar_prefetch = 0 : i64, scratch_operands = 4 : i64, tpu.core_type = #tpu.core_type<sc_vector_subcore>, window_params = [{transform_indices = #map}, {transform_indices = #map1}, {transform_indices = #map}]} {
    %mul3A = arith.constant 2 : i32
    %mul3A_0 = arith.muli %arg1, %mul3A : i32
    %add3A = arith.addi %mul3A_0, %arg0 : i32
    %mul3A_1 = arith.constant 800 : i32
    %mul3A_2 = arith.muli %add3A, %mul3A_1 : i32
    %jit3A = arith.constant 16 : i32
    %div3A = arith.divsi %add3A, %jit3A : i32
    %sign3A = arith.constant 0 : i32
    %sign3A_3 = arith.cmpi sgt, %add3A, %sign3A : i32
    %sign3A_4 = arith.extui %sign3A_3 : i1 to i32
    %sign3A_5 = arith.constant 0 : i32
    %sign3A_6 = arith.cmpi slt, %add3A, %sign3A_5 : i32
    %sign3A_7 = arith.extui %sign3A_6 : i1 to i32
    %sign3A_8 = arith.subi %sign3A_4, %sign3A_7 : i32
    %sign3A_9 = arith.constant 0 : i32
    %sign3A_10 = arith.cmpi sgt, %jit3A, %sign3A_9 : i32
    %sign3A_11 = arith.extui %sign3A_10 : i1 to i32
    %sign3A_12 = arith.constant 0 : i32
    %sign3A_13 = arith.cmpi slt, %jit3A, %sign3A_12 : i32
    %sign3A_14 = arith.extui %sign3A_13 : i1 to i32
    %sign3A_15 = arith.subi %sign3A_11, %sign3A_14 : i32
    %ne3A = arith.cmpi ne, %sign3A_8, %sign3A_15 : i32
    %rem3A = arith.remsi %add3A, %jit3A : i32
    %ne3A_16 = arith.constant 0 : i32
    %ne3A_17 = arith.cmpi ne, %rem3A, %ne3A_16 : i32
    %and3A = arith.andi %ne3A, %ne3A_17 : i1
    %sub3A = arith.constant 1 : i32
    %sub3A_18 = arith.subi %div3A, %sub3A : i32
    %select_n3A = arith.select %and3A, %sub3A_18, %div3A : i32
    %mul3A_19 = arith.constant 160000 : i32
    %mul3A_20 = arith.muli %select_n3A, %mul3A_19 : i32
    %add3A_21 = arith.constant 0 : i32
    %add3A_22 = arith.addi %mul3A_20, %add3A_21 : i32
    %jit3A_23 = arith.constant 16 : i32
    %eq3A = arith.constant 0 : i32
    %eq3A_24 = arith.cmpi eq, %jit3A_23, %eq3A : i32
    %jit3A_25 = arith.constant 1 : i32
    %select_n3A_26 = arith.select %eq3A_24, %jit3A_25, %jit3A_23 : i32
    %rem3A_27 = arith.remsi %add3A, %select_n3A_26 : i32
    %ne3A_28 = arith.constant 0 : i32
    %ne3A_29 = arith.cmpi ne, %rem3A_27, %ne3A_28 : i32
    %lt3A = arith.constant 0 : i32
    %lt3A_30 = arith.cmpi slt, %rem3A_27, %lt3A : i32
    %lt3A_31 = arith.constant 0 : i32
    %lt3A_32 = arith.cmpi slt, %select_n3A_26, %lt3A_31 : i32
    %ne3A_33 = arith.xori %lt3A_30, %lt3A_32 : i1
    %and3A_34 = arith.andi %ne3A_33, %ne3A_29 : i1
    %add3A_35 = arith.addi %rem3A_27, %select_n3A_26 : i32
    %select_n3A_36 = arith.select %and3A_34, %add3A_35, %rem3A_27 : i32
    %mul3A_37 = arith.constant 800 : i32
    %mul3A_38 = arith.muli %select_n3A_36, %mul3A_37 : i32
    %add3A_39 = arith.addi %add3A_22, %mul3A_38 : i32
    %eq3A_40 = arith.constant 0 : i32
    %eq3A_41 = arith.cmpi eq, %arg1, %eq3A_40 : i32
    %convert_element_type3A = arith.extui %eq3A_41 : i1 to i32
    %cond3A = arith.constant 0 : i32
    %cond3A_42 = arith.cmpi ne, %convert_element_type3A, %cond3A : i32
    scf.if %cond3A_42 {
      "tpu.region"() ({
        %run_scoped3A = tpu.sem_alloc : memref<!tpu.dma_semaphore, #tpu.memory_space<semaphore_mem>>
        tpu.enqueue_dma source(%arg2 : memref<10000x128xi32, #tpu.memory_space<hbm>>) target(%arg7 : memref<10000x128xi32, #tpu.memory_space<vmem_shared>>) target_semaphore(%run_scoped3A : memref<!tpu.dma_semaphore, #tpu.memory_space<semaphore_mem>>)
        tpu.wait_dma2 semaphore(%run_scoped3A : memref<!tpu.dma_semaphore, #tpu.memory_space<semaphore_mem>>) src(%arg2 : memref<10000x128xi32, #tpu.memory_space<hbm>>) dst(%arg7 : memref<10000x128xi32, #tpu.memory_space<vmem_shared>>)
        tpu.yield
      }) : () -> ()
    } else {
    }
    "tpu.region"() ({
      %run_scoped3A = tpu.sem_alloc : memref<!tpu.dma_semaphore, #tpu.memory_space<semaphore_mem>>
      %dma_start3A = tpu.memref_slice %arg3[%add3A_39] : memref<320000xi32, #tpu.memory_space<hbm>> -> memref<800xi32, #tpu.memory_space<hbm>>
      %dma_start3A_48 = tpu.memref_slice %arg3[%add3A_39] : memref<320000xi32, #tpu.memory_space<hbm>> -> memref<800xi32, #tpu.memory_space<hbm>>
      tpu.enqueue_dma source(%dma_start3A_48 : memref<800xi32, #tpu.memory_space<hbm>>) target(%arg5 : memref<800xi32, #tpu.memory_space<vmem>>) target_semaphore(%run_scoped3A : memref<!tpu.dma_semaphore, #tpu.memory_space<semaphore_mem>>)
      %dma_wait3A = tpu.memref_slice %arg3[%add3A_39] : memref<320000xi32, #tpu.memory_space<hbm>> -> memref<800xi32, #tpu.memory_space<hbm>>
      %dma_wait3A_49 = tpu.memref_slice %arg3[%add3A_39] : memref<320000xi32, #tpu.memory_space<hbm>> -> memref<800xi32, #tpu.memory_space<hbm>>
      tpu.wait_dma2 semaphore(%run_scoped3A : memref<!tpu.dma_semaphore, #tpu.memory_space<semaphore_mem>>) src(%dma_wait3A_49 : memref<800xi32, #tpu.memory_space<hbm>>) dst(%arg5 : memref<800xi32, #tpu.memory_space<vmem>>)
      tpu.yield
    }) : () -> ()
    %barrier3A = arith.constant 0 : index
    tpu.barrier barrier_id(%barrier3A)
    %scan3A = arith.constant 0 : i32
    %scan3A_43 = arith.constant 0 : i32
    %scan3A_44 = arith.constant 4 : i32
    %scan3A_45 = arith.addi %scan3A_43, %scan3A_44 : i32
    %scan3A_46 = arith.constant 1 : i32
    scf.for %scan3A_48 = %scan3A_43 to %scan3A_45 step %scan3A_46  : i32 {
      %mul3A_49 = arith.constant 200 : i32
      %mul3A_50 = arith.muli %scan3A_48, %mul3A_49 : i32
      %dma_start3A = tpu.memref_slice %arg5[%mul3A_50] : memref<800xi32, #tpu.memory_space<vmem>> -> memref<200xi32, #tpu.memory_space<vmem>>
      %dma_start3A_51 = arith.constant 0 : i32
      %dma_start3A_52 = arith.constant 0 : i32
      %dma_start3A_53 = tpu.memref_slice %arg7[%dma_start3A_51, %dma_start3A_52] : memref<10000x128xi32, #tpu.memory_space<vmem_shared>> -> memref<10000x128xi32, #tpu.memory_space<vmem_shared>>
      tpu.enqueue_indirect_dma source(%dma_start3A_53 : memref<10000x128xi32, #tpu.memory_space<vmem_shared>>) target(%arg6 : memref<200x128xi32, #tpu.memory_space<vmem>>) offsets(%dma_start3A : memref<200xi32, #tpu.memory_space<vmem>>) semaphore(%arg8 : memref<!tpu.dma_semaphore, #tpu.memory_space<semaphore_mem>>)
      %dma_wait3A = tpu.memref_slice %arg5[%mul3A_50] : memref<800xi32, #tpu.memory_space<vmem>> -> memref<200xi32, #tpu.memory_space<vmem>>
      %dma_wait3A_54 = arith.constant 0 : i32
      %dma_wait3A_55 = arith.constant 0 : i32
      %dma_wait3A_56 = tpu.memref_slice %arg7[%dma_wait3A_54, %dma_wait3A_55] : memref<10000x128xi32, #tpu.memory_space<vmem_shared>> -> memref<10000x128xi32, #tpu.memory_space<vmem_shared>>
      tpu.wait_indirect_dma semaphore(%arg8 : memref<!tpu.dma_semaphore, #tpu.memory_space<semaphore_mem>>) src(%dma_wait3A_56 : memref<10000x128xi32, #tpu.memory_space<vmem_shared>>) dst(%arg6 : memref<200x128xi32, #tpu.memory_space<vmem>>)
      %add3A_57 = arith.addi %mul3A_2, %mul3A_50 : i32
      "tpu.region"() ({
        %run_scoped3A = tpu.sem_alloc : memref<!tpu.dma_semaphore, #tpu.memory_space<semaphore_mem>>
        %dma_start3A_58 = arith.constant 0 : i32
        %dma_start3A_59 = tpu.memref_slice %arg4[%add3A_57, %dma_start3A_58] : memref<25600x128xi32, #tpu.memory_space<hbm>> -> memref<200x128xi32, #tpu.memory_space<hbm>>
        %dma_start3A_60 = arith.constant 0 : i32
        %dma_start3A_61 = tpu.memref_slice %arg4[%add3A_57, %dma_start3A_60] : memref<25600x128xi32, #tpu.memory_space<hbm>> -> memref<200x128xi32, #tpu.memory_space<hbm>>
        tpu.enqueue_dma source(%arg6 : memref<200x128xi32, #tpu.memory_space<vmem>>) target(%dma_start3A_61 : memref<200x128xi32, #tpu.memory_space<hbm>>) target_semaphore(%run_scoped3A : memref<!tpu.dma_semaphore, #tpu.memory_space<semaphore_mem>>)
        %dma_wait3A_62 = arith.constant 0 : i32
        %dma_wait3A_63 = tpu.memref_slice %arg4[%add3A_57, %dma_wait3A_62] : memref<25600x128xi32, #tpu.memory_space<hbm>> -> memref<200x128xi32, #tpu.memory_space<hbm>>
        %dma_wait3A_64 = arith.constant 0 : i32
        %dma_wait3A_65 = tpu.memref_slice %arg4[%add3A_57, %dma_wait3A_64] : memref<25600x128xi32, #tpu.memory_space<hbm>> -> memref<200x128xi32, #tpu.memory_space<hbm>>
        tpu.wait_dma2 semaphore(%run_scoped3A : memref<!tpu.dma_semaphore, #tpu.memory_space<semaphore_mem>>) src(%arg6 : memref<200x128xi32, #tpu.memory_space<vmem>>) dst(%dma_wait3A_65 : memref<200x128xi32, #tpu.memory_space<hbm>>)
        tpu.yield
      }) : () -> ()
    }
    %scan3A_47 = arith.constant 4 : i32
    return
  }
}

#map = affine_map<(d0, d1) -> (0, 0)>
#map1 = affine_map<(d0, d1) -> (0)>
module attributes {stable_mosaic.version = 14 : i64} {
  func.func @_sc_gather_body(%arg0: i32, %arg1: i32, %arg2: memref<10000x128xi32, #tpu.memory_space<hbm>>, %arg3: memref<320000xi32, #tpu.memory_space<hbm>>, %arg4: memref<76800x128xi32, #tpu.memory_space<hbm>>, %arg5: memref<2400xi32, #tpu.memory_space<vmem>>, %arg6: memref<200x128xi32, #tpu.memory_space<vmem>>, %arg7: memref<10000x128xi32, #tpu.memory_space<vmem_shared>>, %arg8: memref<!tpu.dma_semaphore, #tpu.memory_space<semaphore_mem>>) attributes {dimension_semantics = [#tpu.dimension_semantics<core_parallel>, #tpu.dimension_semantics<subcore_parallel>], iteration_bounds = array<i64: 2, 16>, scalar_prefetch = 0 : i64, scratch_operands = 4 : i64, tpu.core_type = #tpu.core_type<sc_vector_subcore>, window_params = [{transform_indices = #map}, {transform_indices = #map1}, {transform_indices = #map}]} {
    %mul3A = arith.constant 2 : i32
    %mul3A_0 = arith.muli %arg1, %mul3A : i32
    %add3A = arith.addi %mul3A_0, %arg0 : i32
    %mul3A_1 = arith.constant 2400 : i32
    %mul3A_2 = arith.muli %add3A, %mul3A_1 : i32
    %jit3A = arith.constant 16 : i32
    %div3A = arith.divsi %add3A, %jit3A : i32
    %sign3A = arith.constant 0 : i32
    %sign3A_3 = arith.cmpi sgt, %add3A, %sign3A : i32
    %sign3A_4 = arith.extui %sign3A_3 : i1 to i32
    %sign3A_5 = arith.constant 0 : i32
    %sign3A_6 = arith.cmpi slt, %add3A, %sign3A_5 : i32
    %sign3A_7 = arith.extui %sign3A_6 : i1 to i32
    %sign3A_8 = arith.subi %sign3A_4, %sign3A_7 : i32
    %sign3A_9 = arith.constant 0 : i32
    %sign3A_10 = arith.cmpi sgt, %jit3A, %sign3A_9 : i32
    %sign3A_11 = arith.extui %sign3A_10 : i1 to i32
    %sign3A_12 = arith.constant 0 : i32
    %sign3A_13 = arith.cmpi slt, %jit3A, %sign3A_12 : i32
    %sign3A_14 = arith.extui %sign3A_13 : i1 to i32
    %sign3A_15 = arith.subi %sign3A_11, %sign3A_14 : i32
    %ne3A = arith.cmpi ne, %sign3A_8, %sign3A_15 : i32
    %rem3A = arith.remsi %add3A, %jit3A : i32
    %ne3A_16 = arith.constant 0 : i32
    %ne3A_17 = arith.cmpi ne, %rem3A, %ne3A_16 : i32
    %and3A = arith.andi %ne3A, %ne3A_17 : i1
    %sub3A = arith.constant 1 : i32
    %sub3A_18 = arith.subi %div3A, %sub3A : i32
    %select_n3A = arith.select %and3A, %sub3A_18, %div3A : i32
    %mul3A_19 = arith.constant 160000 : i32
    %mul3A_20 = arith.muli %select_n3A, %mul3A_19 : i32
    %add3A_21 = arith.constant 38400 : i32
    %add3A_22 = arith.addi %mul3A_20, %add3A_21 : i32
    %jit3A_23 = arith.constant 16 : i32
    %eq3A = arith.constant 0 : i32
    %eq3A_24 = arith.cmpi eq, %jit3A_23, %eq3A : i32
    %jit3A_25 = arith.constant 1 : i32
    %select_n3A_26 = arith.select %eq3A_24, %jit3A_25, %jit3A_23 : i32
    %rem3A_27 = arith.remsi %add3A, %select_n3A_26 : i32
    %ne3A_28 = arith.constant 0 : i32
    %ne3A_29 = arith.cmpi ne, %rem3A_27, %ne3A_28 : i32
    %lt3A = arith.constant 0 : i32
    %lt3A_30 = arith.cmpi slt, %rem3A_27, %lt3A : i32
    %lt3A_31 = arith.constant 0 : i32
    %lt3A_32 = arith.cmpi slt, %select_n3A_26, %lt3A_31 : i32
    %ne3A_33 = arith.xori %lt3A_30, %lt3A_32 : i1
    %and3A_34 = arith.andi %ne3A_33, %ne3A_29 : i1
    %add3A_35 = arith.addi %rem3A_27, %select_n3A_26 : i32
    %select_n3A_36 = arith.select %and3A_34, %add3A_35, %rem3A_27 : i32
    %mul3A_37 = arith.constant 2400 : i32
    %mul3A_38 = arith.muli %select_n3A_36, %mul3A_37 : i32
    %add3A_39 = arith.addi %add3A_22, %mul3A_38 : i32
    %eq3A_40 = arith.constant 0 : i32
    %eq3A_41 = arith.cmpi eq, %arg1, %eq3A_40 : i32
    %convert_element_type3A = arith.extui %eq3A_41 : i1 to i32
    %cond3A = arith.constant 0 : i32
    %cond3A_42 = arith.cmpi ne, %convert_element_type3A, %cond3A : i32
    scf.if %cond3A_42 {
      "tpu.region"() ({
        %run_scoped3A = tpu.sem_alloc : memref<!tpu.dma_semaphore, #tpu.memory_space<semaphore_mem>>
        tpu.enqueue_dma source(%arg2 : memref<10000x128xi32, #tpu.memory_space<hbm>>) target(%arg7 : memref<10000x128xi32, #tpu.memory_space<vmem_shared>>) target_semaphore(%run_scoped3A : memref<!tpu.dma_semaphore, #tpu.memory_space<semaphore_mem>>)
        tpu.wait_dma2 semaphore(%run_scoped3A : memref<!tpu.dma_semaphore, #tpu.memory_space<semaphore_mem>>) src(%arg2 : memref<10000x128xi32, #tpu.memory_space<hbm>>) dst(%arg7 : memref<10000x128xi32, #tpu.memory_space<vmem_shared>>)
        tpu.yield
      }) : () -> ()
    } else {
    }
    "tpu.region"() ({
      %run_scoped3A = tpu.sem_alloc : memref<!tpu.dma_semaphore, #tpu.memory_space<semaphore_mem>>
      %dma_start3A = tpu.memref_slice %arg3[%add3A_39] : memref<320000xi32, #tpu.memory_space<hbm>> -> memref<2400xi32, #tpu.memory_space<hbm>>
      %dma_start3A_48 = tpu.memref_slice %arg3[%add3A_39] : memref<320000xi32, #tpu.memory_space<hbm>> -> memref<2400xi32, #tpu.memory_space<hbm>>
      tpu.enqueue_dma source(%dma_start3A_48 : memref<2400xi32, #tpu.memory_space<hbm>>) target(%arg5 : memref<2400xi32, #tpu.memory_space<vmem>>) target_semaphore(%run_scoped3A : memref<!tpu.dma_semaphore, #tpu.memory_space<semaphore_mem>>)
      %dma_wait3A = tpu.memref_slice %arg3[%add3A_39] : memref<320000xi32, #tpu.memory_space<hbm>> -> memref<2400xi32, #tpu.memory_space<hbm>>
      %dma_wait3A_49 = tpu.memref_slice %arg3[%add3A_39] : memref<320000xi32, #tpu.memory_space<hbm>> -> memref<2400xi32, #tpu.memory_space<hbm>>
      tpu.wait_dma2 semaphore(%run_scoped3A : memref<!tpu.dma_semaphore, #tpu.memory_space<semaphore_mem>>) src(%dma_wait3A_49 : memref<2400xi32, #tpu.memory_space<hbm>>) dst(%arg5 : memref<2400xi32, #tpu.memory_space<vmem>>)
      tpu.yield
    }) : () -> ()
    %barrier3A = arith.constant 0 : index
    tpu.barrier barrier_id(%barrier3A)
    %scan3A = arith.constant 0 : i32
    %scan3A_43 = arith.constant 0 : i32
    %scan3A_44 = arith.constant 12 : i32
    %scan3A_45 = arith.addi %scan3A_43, %scan3A_44 : i32
    %scan3A_46 = arith.constant 1 : i32
    scf.for %scan3A_48 = %scan3A_43 to %scan3A_45 step %scan3A_46  : i32 {
      %mul3A_49 = arith.constant 200 : i32
      %mul3A_50 = arith.muli %scan3A_48, %mul3A_49 : i32
      %dma_start3A = tpu.memref_slice %arg5[%mul3A_50] : memref<2400xi32, #tpu.memory_space<vmem>> -> memref<200xi32, #tpu.memory_space<vmem>>
      %dma_start3A_51 = arith.constant 0 : i32
      %dma_start3A_52 = arith.constant 0 : i32
      %dma_start3A_53 = tpu.memref_slice %arg7[%dma_start3A_51, %dma_start3A_52] : memref<10000x128xi32, #tpu.memory_space<vmem_shared>> -> memref<10000x128xi32, #tpu.memory_space<vmem_shared>>
      tpu.enqueue_indirect_dma source(%dma_start3A_53 : memref<10000x128xi32, #tpu.memory_space<vmem_shared>>) target(%arg6 : memref<200x128xi32, #tpu.memory_space<vmem>>) offsets(%dma_start3A : memref<200xi32, #tpu.memory_space<vmem>>) semaphore(%arg8 : memref<!tpu.dma_semaphore, #tpu.memory_space<semaphore_mem>>)
      %dma_wait3A = tpu.memref_slice %arg5[%mul3A_50] : memref<2400xi32, #tpu.memory_space<vmem>> -> memref<200xi32, #tpu.memory_space<vmem>>
      %dma_wait3A_54 = arith.constant 0 : i32
      %dma_wait3A_55 = arith.constant 0 : i32
      %dma_wait3A_56 = tpu.memref_slice %arg7[%dma_wait3A_54, %dma_wait3A_55] : memref<10000x128xi32, #tpu.memory_space<vmem_shared>> -> memref<10000x128xi32, #tpu.memory_space<vmem_shared>>
      tpu.wait_indirect_dma semaphore(%arg8 : memref<!tpu.dma_semaphore, #tpu.memory_space<semaphore_mem>>) src(%dma_wait3A_56 : memref<10000x128xi32, #tpu.memory_space<vmem_shared>>) dst(%arg6 : memref<200x128xi32, #tpu.memory_space<vmem>>)
      %add3A_57 = arith.addi %mul3A_2, %mul3A_50 : i32
      "tpu.region"() ({
        %run_scoped3A = tpu.sem_alloc : memref<!tpu.dma_semaphore, #tpu.memory_space<semaphore_mem>>
        %dma_start3A_58 = arith.constant 0 : i32
        %dma_start3A_59 = tpu.memref_slice %arg4[%add3A_57, %dma_start3A_58] : memref<76800x128xi32, #tpu.memory_space<hbm>> -> memref<200x128xi32, #tpu.memory_space<hbm>>
        %dma_start3A_60 = arith.constant 0 : i32
        %dma_start3A_61 = tpu.memref_slice %arg4[%add3A_57, %dma_start3A_60] : memref<76800x128xi32, #tpu.memory_space<hbm>> -> memref<200x128xi32, #tpu.memory_space<hbm>>
        tpu.enqueue_dma source(%arg6 : memref<200x128xi32, #tpu.memory_space<vmem>>) target(%dma_start3A_61 : memref<200x128xi32, #tpu.memory_space<hbm>>) target_semaphore(%run_scoped3A : memref<!tpu.dma_semaphore, #tpu.memory_space<semaphore_mem>>)
        %dma_wait3A_62 = arith.constant 0 : i32
        %dma_wait3A_63 = tpu.memref_slice %arg4[%add3A_57, %dma_wait3A_62] : memref<76800x128xi32, #tpu.memory_space<hbm>> -> memref<200x128xi32, #tpu.memory_space<hbm>>
        %dma_wait3A_64 = arith.constant 0 : i32
        %dma_wait3A_65 = tpu.memref_slice %arg4[%add3A_57, %dma_wait3A_64] : memref<76800x128xi32, #tpu.memory_space<hbm>> -> memref<200x128xi32, #tpu.memory_space<hbm>>
        tpu.wait_dma2 semaphore(%run_scoped3A : memref<!tpu.dma_semaphore, #tpu.memory_space<semaphore_mem>>) src(%arg6 : memref<200x128xi32, #tpu.memory_space<vmem>>) dst(%dma_wait3A_65 : memref<200x128xi32, #tpu.memory_space<hbm>>)
        tpu.yield
      }) : () -> ()
    }
    %scan3A_47 = arith.constant 12 : i32
    return
  }
}

#map = affine_map<(d0, d1) -> (0, 0)>
#map1 = affine_map<(d0, d1) -> (0)>
module attributes {stable_mosaic.version = 14 : i64} {
  func.func @_sc_gather_body(%arg0: i32, %arg1: i32, %arg2: memref<10000x128xi32, #tpu.memory_space<hbm>>, %arg3: memref<320000xi32, #tpu.memory_space<hbm>>, %arg4: memref<51200x128xi32, #tpu.memory_space<hbm>>, %arg5: memref<1600xi32, #tpu.memory_space<vmem>>, %arg6: memref<200x128xi32, #tpu.memory_space<vmem>>, %arg7: memref<10000x128xi32, #tpu.memory_space<vmem_shared>>, %arg8: memref<!tpu.dma_semaphore, #tpu.memory_space<semaphore_mem>>) attributes {dimension_semantics = [#tpu.dimension_semantics<core_parallel>, #tpu.dimension_semantics<subcore_parallel>], iteration_bounds = array<i64: 2, 16>, scalar_prefetch = 0 : i64, scratch_operands = 4 : i64, tpu.core_type = #tpu.core_type<sc_vector_subcore>, window_params = [{transform_indices = #map}, {transform_indices = #map1}, {transform_indices = #map}]} {
    %mul3A = arith.constant 2 : i32
    %mul3A_0 = arith.muli %arg1, %mul3A : i32
    %add3A = arith.addi %mul3A_0, %arg0 : i32
    %mul3A_1 = arith.constant 1600 : i32
    %mul3A_2 = arith.muli %add3A, %mul3A_1 : i32
    %jit3A = arith.constant 16 : i32
    %div3A = arith.divsi %add3A, %jit3A : i32
    %sign3A = arith.constant 0 : i32
    %sign3A_3 = arith.cmpi sgt, %add3A, %sign3A : i32
    %sign3A_4 = arith.extui %sign3A_3 : i1 to i32
    %sign3A_5 = arith.constant 0 : i32
    %sign3A_6 = arith.cmpi slt, %add3A, %sign3A_5 : i32
    %sign3A_7 = arith.extui %sign3A_6 : i1 to i32
    %sign3A_8 = arith.subi %sign3A_4, %sign3A_7 : i32
    %sign3A_9 = arith.constant 0 : i32
    %sign3A_10 = arith.cmpi sgt, %jit3A, %sign3A_9 : i32
    %sign3A_11 = arith.extui %sign3A_10 : i1 to i32
    %sign3A_12 = arith.constant 0 : i32
    %sign3A_13 = arith.cmpi slt, %jit3A, %sign3A_12 : i32
    %sign3A_14 = arith.extui %sign3A_13 : i1 to i32
    %sign3A_15 = arith.subi %sign3A_11, %sign3A_14 : i32
    %ne3A = arith.cmpi ne, %sign3A_8, %sign3A_15 : i32
    %rem3A = arith.remsi %add3A, %jit3A : i32
    %ne3A_16 = arith.constant 0 : i32
    %ne3A_17 = arith.cmpi ne, %rem3A, %ne3A_16 : i32
    %and3A = arith.andi %ne3A, %ne3A_17 : i1
    %sub3A = arith.constant 1 : i32
    %sub3A_18 = arith.subi %div3A, %sub3A : i32
    %select_n3A = arith.select %and3A, %sub3A_18, %div3A : i32
    %mul3A_19 = arith.constant 160000 : i32
    %mul3A_20 = arith.muli %select_n3A, %mul3A_19 : i32
    %add3A_21 = arith.constant 12800 : i32
    %add3A_22 = arith.addi %mul3A_20, %add3A_21 : i32
    %jit3A_23 = arith.constant 16 : i32
    %eq3A = arith.constant 0 : i32
    %eq3A_24 = arith.cmpi eq, %jit3A_23, %eq3A : i32
    %jit3A_25 = arith.constant 1 : i32
    %select_n3A_26 = arith.select %eq3A_24, %jit3A_25, %jit3A_23 : i32
    %rem3A_27 = arith.remsi %add3A, %select_n3A_26 : i32
    %ne3A_28 = arith.constant 0 : i32
    %ne3A_29 = arith.cmpi ne, %rem3A_27, %ne3A_28 : i32
    %lt3A = arith.constant 0 : i32
    %lt3A_30 = arith.cmpi slt, %rem3A_27, %lt3A : i32
    %lt3A_31 = arith.constant 0 : i32
    %lt3A_32 = arith.cmpi slt, %select_n3A_26, %lt3A_31 : i32
    %ne3A_33 = arith.xori %lt3A_30, %lt3A_32 : i1
    %and3A_34 = arith.andi %ne3A_33, %ne3A_29 : i1
    %add3A_35 = arith.addi %rem3A_27, %select_n3A_26 : i32
    %select_n3A_36 = arith.select %and3A_34, %add3A_35, %rem3A_27 : i32
    %mul3A_37 = arith.constant 1600 : i32
    %mul3A_38 = arith.muli %select_n3A_36, %mul3A_37 : i32
    %add3A_39 = arith.addi %add3A_22, %mul3A_38 : i32
    %eq3A_40 = arith.constant 0 : i32
    %eq3A_41 = arith.cmpi eq, %arg1, %eq3A_40 : i32
    %convert_element_type3A = arith.extui %eq3A_41 : i1 to i32
    %cond3A = arith.constant 0 : i32
    %cond3A_42 = arith.cmpi ne, %convert_element_type3A, %cond3A : i32
    scf.if %cond3A_42 {
      "tpu.region"() ({
        %run_scoped3A = tpu.sem_alloc : memref<!tpu.dma_semaphore, #tpu.memory_space<semaphore_mem>>
        tpu.enqueue_dma source(%arg2 : memref<10000x128xi32, #tpu.memory_space<hbm>>) target(%arg7 : memref<10000x128xi32, #tpu.memory_space<vmem_shared>>) target_semaphore(%run_scoped3A : memref<!tpu.dma_semaphore, #tpu.memory_space<semaphore_mem>>)
        tpu.wait_dma2 semaphore(%run_scoped3A : memref<!tpu.dma_semaphore, #tpu.memory_space<semaphore_mem>>) src(%arg2 : memref<10000x128xi32, #tpu.memory_space<hbm>>) dst(%arg7 : memref<10000x128xi32, #tpu.memory_space<vmem_shared>>)
        tpu.yield
      }) : () -> ()
    } else {
    }
    "tpu.region"() ({
      %run_scoped3A = tpu.sem_alloc : memref<!tpu.dma_semaphore, #tpu.memory_space<semaphore_mem>>
      %dma_start3A = tpu.memref_slice %arg3[%add3A_39] : memref<320000xi32, #tpu.memory_space<hbm>> -> memref<1600xi32, #tpu.memory_space<hbm>>
      %dma_start3A_48 = tpu.memref_slice %arg3[%add3A_39] : memref<320000xi32, #tpu.memory_space<hbm>> -> memref<1600xi32, #tpu.memory_space<hbm>>
      tpu.enqueue_dma source(%dma_start3A_48 : memref<1600xi32, #tpu.memory_space<hbm>>) target(%arg5 : memref<1600xi32, #tpu.memory_space<vmem>>) target_semaphore(%run_scoped3A : memref<!tpu.dma_semaphore, #tpu.memory_space<semaphore_mem>>)
      %dma_wait3A = tpu.memref_slice %arg3[%add3A_39] : memref<320000xi32, #tpu.memory_space<hbm>> -> memref<1600xi32, #tpu.memory_space<hbm>>
      %dma_wait3A_49 = tpu.memref_slice %arg3[%add3A_39] : memref<320000xi32, #tpu.memory_space<hbm>> -> memref<1600xi32, #tpu.memory_space<hbm>>
      tpu.wait_dma2 semaphore(%run_scoped3A : memref<!tpu.dma_semaphore, #tpu.memory_space<semaphore_mem>>) src(%dma_wait3A_49 : memref<1600xi32, #tpu.memory_space<hbm>>) dst(%arg5 : memref<1600xi32, #tpu.memory_space<vmem>>)
      tpu.yield
    }) : () -> ()
    %barrier3A = arith.constant 0 : index
    tpu.barrier barrier_id(%barrier3A)
    %scan3A = arith.constant 0 : i32
    %scan3A_43 = arith.constant 0 : i32
    %scan3A_44 = arith.constant 8 : i32
    %scan3A_45 = arith.addi %scan3A_43, %scan3A_44 : i32
    %scan3A_46 = arith.constant 1 : i32
    scf.for %scan3A_48 = %scan3A_43 to %scan3A_45 step %scan3A_46  : i32 {
      %mul3A_49 = arith.constant 200 : i32
      %mul3A_50 = arith.muli %scan3A_48, %mul3A_49 : i32
      %dma_start3A = tpu.memref_slice %arg5[%mul3A_50] : memref<1600xi32, #tpu.memory_space<vmem>> -> memref<200xi32, #tpu.memory_space<vmem>>
      %dma_start3A_51 = arith.constant 0 : i32
      %dma_start3A_52 = arith.constant 0 : i32
      %dma_start3A_53 = tpu.memref_slice %arg7[%dma_start3A_51, %dma_start3A_52] : memref<10000x128xi32, #tpu.memory_space<vmem_shared>> -> memref<10000x128xi32, #tpu.memory_space<vmem_shared>>
      tpu.enqueue_indirect_dma source(%dma_start3A_53 : memref<10000x128xi32, #tpu.memory_space<vmem_shared>>) target(%arg6 : memref<200x128xi32, #tpu.memory_space<vmem>>) offsets(%dma_start3A : memref<200xi32, #tpu.memory_space<vmem>>) semaphore(%arg8 : memref<!tpu.dma_semaphore, #tpu.memory_space<semaphore_mem>>)
      %dma_wait3A = tpu.memref_slice %arg5[%mul3A_50] : memref<1600xi32, #tpu.memory_space<vmem>> -> memref<200xi32, #tpu.memory_space<vmem>>
      %dma_wait3A_54 = arith.constant 0 : i32
      %dma_wait3A_55 = arith.constant 0 : i32
      %dma_wait3A_56 = tpu.memref_slice %arg7[%dma_wait3A_54, %dma_wait3A_55] : memref<10000x128xi32, #tpu.memory_space<vmem_shared>> -> memref<10000x128xi32, #tpu.memory_space<vmem_shared>>
      tpu.wait_indirect_dma semaphore(%arg8 : memref<!tpu.dma_semaphore, #tpu.memory_space<semaphore_mem>>) src(%dma_wait3A_56 : memref<10000x128xi32, #tpu.memory_space<vmem_shared>>) dst(%arg6 : memref<200x128xi32, #tpu.memory_space<vmem>>)
      %add3A_57 = arith.addi %mul3A_2, %mul3A_50 : i32
      "tpu.region"() ({
        %run_scoped3A = tpu.sem_alloc : memref<!tpu.dma_semaphore, #tpu.memory_space<semaphore_mem>>
        %dma_start3A_58 = arith.constant 0 : i32
        %dma_start3A_59 = tpu.memref_slice %arg4[%add3A_57, %dma_start3A_58] : memref<51200x128xi32, #tpu.memory_space<hbm>> -> memref<200x128xi32, #tpu.memory_space<hbm>>
        %dma_start3A_60 = arith.constant 0 : i32
        %dma_start3A_61 = tpu.memref_slice %arg4[%add3A_57, %dma_start3A_60] : memref<51200x128xi32, #tpu.memory_space<hbm>> -> memref<200x128xi32, #tpu.memory_space<hbm>>
        tpu.enqueue_dma source(%arg6 : memref<200x128xi32, #tpu.memory_space<vmem>>) target(%dma_start3A_61 : memref<200x128xi32, #tpu.memory_space<hbm>>) target_semaphore(%run_scoped3A : memref<!tpu.dma_semaphore, #tpu.memory_space<semaphore_mem>>)
        %dma_wait3A_62 = arith.constant 0 : i32
        %dma_wait3A_63 = tpu.memref_slice %arg4[%add3A_57, %dma_wait3A_62] : memref<51200x128xi32, #tpu.memory_space<hbm>> -> memref<200x128xi32, #tpu.memory_space<hbm>>
        %dma_wait3A_64 = arith.constant 0 : i32
        %dma_wait3A_65 = tpu.memref_slice %arg4[%add3A_57, %dma_wait3A_64] : memref<51200x128xi32, #tpu.memory_space<hbm>> -> memref<200x128xi32, #tpu.memory_space<hbm>>
        tpu.wait_dma2 semaphore(%run_scoped3A : memref<!tpu.dma_semaphore, #tpu.memory_space<semaphore_mem>>) src(%arg6 : memref<200x128xi32, #tpu.memory_space<vmem>>) dst(%dma_wait3A_65 : memref<200x128xi32, #tpu.memory_space<hbm>>)
        tpu.yield
      }) : () -> ()
    }
    %scan3A_47 = arith.constant 8 : i32
    return
  }
}

#map = affine_map<(d0, d1) -> (0, 0)>
#map1 = affine_map<(d0, d1) -> (0)>
module attributes {stable_mosaic.version = 14 : i64} {
  func.func @_sc_gather_body(%arg0: i32, %arg1: i32, %arg2: memref<10000x128xi32, #tpu.memory_space<hbm>>, %arg3: memref<320000xi32, #tpu.memory_space<hbm>>, %arg4: memref<76800x128xi32, #tpu.memory_space<hbm>>, %arg5: memref<2400xi32, #tpu.memory_space<vmem>>, %arg6: memref<200x128xi32, #tpu.memory_space<vmem>>, %arg7: memref<10000x128xi32, #tpu.memory_space<vmem_shared>>, %arg8: memref<!tpu.dma_semaphore, #tpu.memory_space<semaphore_mem>>) attributes {dimension_semantics = [#tpu.dimension_semantics<core_parallel>, #tpu.dimension_semantics<subcore_parallel>], iteration_bounds = array<i64: 2, 16>, scalar_prefetch = 0 : i64, scratch_operands = 4 : i64, tpu.core_type = #tpu.core_type<sc_vector_subcore>, window_params = [{transform_indices = #map}, {transform_indices = #map1}, {transform_indices = #map}]} {
    %mul3A = arith.constant 2 : i32
    %mul3A_0 = arith.muli %arg1, %mul3A : i32
    %add3A = arith.addi %mul3A_0, %arg0 : i32
    %mul3A_1 = arith.constant 2400 : i32
    %mul3A_2 = arith.muli %add3A, %mul3A_1 : i32
    %jit3A = arith.constant 16 : i32
    %div3A = arith.divsi %add3A, %jit3A : i32
    %sign3A = arith.constant 0 : i32
    %sign3A_3 = arith.cmpi sgt, %add3A, %sign3A : i32
    %sign3A_4 = arith.extui %sign3A_3 : i1 to i32
    %sign3A_5 = arith.constant 0 : i32
    %sign3A_6 = arith.cmpi slt, %add3A, %sign3A_5 : i32
    %sign3A_7 = arith.extui %sign3A_6 : i1 to i32
    %sign3A_8 = arith.subi %sign3A_4, %sign3A_7 : i32
    %sign3A_9 = arith.constant 0 : i32
    %sign3A_10 = arith.cmpi sgt, %jit3A, %sign3A_9 : i32
    %sign3A_11 = arith.extui %sign3A_10 : i1 to i32
    %sign3A_12 = arith.constant 0 : i32
    %sign3A_13 = arith.cmpi slt, %jit3A, %sign3A_12 : i32
    %sign3A_14 = arith.extui %sign3A_13 : i1 to i32
    %sign3A_15 = arith.subi %sign3A_11, %sign3A_14 : i32
    %ne3A = arith.cmpi ne, %sign3A_8, %sign3A_15 : i32
    %rem3A = arith.remsi %add3A, %jit3A : i32
    %ne3A_16 = arith.constant 0 : i32
    %ne3A_17 = arith.cmpi ne, %rem3A, %ne3A_16 : i32
    %and3A = arith.andi %ne3A, %ne3A_17 : i1
    %sub3A = arith.constant 1 : i32
    %sub3A_18 = arith.subi %div3A, %sub3A : i32
    %select_n3A = arith.select %and3A, %sub3A_18, %div3A : i32
    %mul3A_19 = arith.constant 160000 : i32
    %mul3A_20 = arith.muli %select_n3A, %mul3A_19 : i32
    %add3A_21 = arith.constant 121600 : i32
    %add3A_22 = arith.addi %mul3A_20, %add3A_21 : i32
    %jit3A_23 = arith.constant 16 : i32
    %eq3A = arith.constant 0 : i32
    %eq3A_24 = arith.cmpi eq, %jit3A_23, %eq3A : i32
    %jit3A_25 = arith.constant 1 : i32
    %select_n3A_26 = arith.select %eq3A_24, %jit3A_25, %jit3A_23 : i32
    %rem3A_27 = arith.remsi %add3A, %select_n3A_26 : i32
    %ne3A_28 = arith.constant 0 : i32
    %ne3A_29 = arith.cmpi ne, %rem3A_27, %ne3A_28 : i32
    %lt3A = arith.constant 0 : i32
    %lt3A_30 = arith.cmpi slt, %rem3A_27, %lt3A : i32
    %lt3A_31 = arith.constant 0 : i32
    %lt3A_32 = arith.cmpi slt, %select_n3A_26, %lt3A_31 : i32
    %ne3A_33 = arith.xori %lt3A_30, %lt3A_32 : i1
    %and3A_34 = arith.andi %ne3A_33, %ne3A_29 : i1
    %add3A_35 = arith.addi %rem3A_27, %select_n3A_26 : i32
    %select_n3A_36 = arith.select %and3A_34, %add3A_35, %rem3A_27 : i32
    %mul3A_37 = arith.constant 2400 : i32
    %mul3A_38 = arith.muli %select_n3A_36, %mul3A_37 : i32
    %add3A_39 = arith.addi %add3A_22, %mul3A_38 : i32
    %eq3A_40 = arith.constant 0 : i32
    %eq3A_41 = arith.cmpi eq, %arg1, %eq3A_40 : i32
    %convert_element_type3A = arith.extui %eq3A_41 : i1 to i32
    %cond3A = arith.constant 0 : i32
    %cond3A_42 = arith.cmpi ne, %convert_element_type3A, %cond3A : i32
    scf.if %cond3A_42 {
      "tpu.region"() ({
        %run_scoped3A = tpu.sem_alloc : memref<!tpu.dma_semaphore, #tpu.memory_space<semaphore_mem>>
        tpu.enqueue_dma source(%arg2 : memref<10000x128xi32, #tpu.memory_space<hbm>>) target(%arg7 : memref<10000x128xi32, #tpu.memory_space<vmem_shared>>) target_semaphore(%run_scoped3A : memref<!tpu.dma_semaphore, #tpu.memory_space<semaphore_mem>>)
        tpu.wait_dma2 semaphore(%run_scoped3A : memref<!tpu.dma_semaphore, #tpu.memory_space<semaphore_mem>>) src(%arg2 : memref<10000x128xi32, #tpu.memory_space<hbm>>) dst(%arg7 : memref<10000x128xi32, #tpu.memory_space<vmem_shared>>)
        tpu.yield
      }) : () -> ()
    } else {
    }
    "tpu.region"() ({
      %run_scoped3A = tpu.sem_alloc : memref<!tpu.dma_semaphore, #tpu.memory_space<semaphore_mem>>
      %dma_start3A = tpu.memref_slice %arg3[%add3A_39] : memref<320000xi32, #tpu.memory_space<hbm>> -> memref<2400xi32, #tpu.memory_space<hbm>>
      %dma_start3A_48 = tpu.memref_slice %arg3[%add3A_39] : memref<320000xi32, #tpu.memory_space<hbm>> -> memref<2400xi32, #tpu.memory_space<hbm>>
      tpu.enqueue_dma source(%dma_start3A_48 : memref<2400xi32, #tpu.memory_space<hbm>>) target(%arg5 : memref<2400xi32, #tpu.memory_space<vmem>>) target_semaphore(%run_scoped3A : memref<!tpu.dma_semaphore, #tpu.memory_space<semaphore_mem>>)
      %dma_wait3A = tpu.memref_slice %arg3[%add3A_39] : memref<320000xi32, #tpu.memory_space<hbm>> -> memref<2400xi32, #tpu.memory_space<hbm>>
      %dma_wait3A_49 = tpu.memref_slice %arg3[%add3A_39] : memref<320000xi32, #tpu.memory_space<hbm>> -> memref<2400xi32, #tpu.memory_space<hbm>>
      tpu.wait_dma2 semaphore(%run_scoped3A : memref<!tpu.dma_semaphore, #tpu.memory_space<semaphore_mem>>) src(%dma_wait3A_49 : memref<2400xi32, #tpu.memory_space<hbm>>) dst(%arg5 : memref<2400xi32, #tpu.memory_space<vmem>>)
      tpu.yield
    }) : () -> ()
    %barrier3A = arith.constant 0 : index
    tpu.barrier barrier_id(%barrier3A)
    %scan3A = arith.constant 0 : i32
    %scan3A_43 = arith.constant 0 : i32
    %scan3A_44 = arith.constant 12 : i32
    %scan3A_45 = arith.addi %scan3A_43, %scan3A_44 : i32
    %scan3A_46 = arith.constant 1 : i32
    scf.for %scan3A_48 = %scan3A_43 to %scan3A_45 step %scan3A_46  : i32 {
      %mul3A_49 = arith.constant 200 : i32
      %mul3A_50 = arith.muli %scan3A_48, %mul3A_49 : i32
      %dma_start3A = tpu.memref_slice %arg5[%mul3A_50] : memref<2400xi32, #tpu.memory_space<vmem>> -> memref<200xi32, #tpu.memory_space<vmem>>
      %dma_start3A_51 = arith.constant 0 : i32
      %dma_start3A_52 = arith.constant 0 : i32
      %dma_start3A_53 = tpu.memref_slice %arg7[%dma_start3A_51, %dma_start3A_52] : memref<10000x128xi32, #tpu.memory_space<vmem_shared>> -> memref<10000x128xi32, #tpu.memory_space<vmem_shared>>
      tpu.enqueue_indirect_dma source(%dma_start3A_53 : memref<10000x128xi32, #tpu.memory_space<vmem_shared>>) target(%arg6 : memref<200x128xi32, #tpu.memory_space<vmem>>) offsets(%dma_start3A : memref<200xi32, #tpu.memory_space<vmem>>) semaphore(%arg8 : memref<!tpu.dma_semaphore, #tpu.memory_space<semaphore_mem>>)
      %dma_wait3A = tpu.memref_slice %arg5[%mul3A_50] : memref<2400xi32, #tpu.memory_space<vmem>> -> memref<200xi32, #tpu.memory_space<vmem>>
      %dma_wait3A_54 = arith.constant 0 : i32
      %dma_wait3A_55 = arith.constant 0 : i32
      %dma_wait3A_56 = tpu.memref_slice %arg7[%dma_wait3A_54, %dma_wait3A_55] : memref<10000x128xi32, #tpu.memory_space<vmem_shared>> -> memref<10000x128xi32, #tpu.memory_space<vmem_shared>>
      tpu.wait_indirect_dma semaphore(%arg8 : memref<!tpu.dma_semaphore, #tpu.memory_space<semaphore_mem>>) src(%dma_wait3A_56 : memref<10000x128xi32, #tpu.memory_space<vmem_shared>>) dst(%arg6 : memref<200x128xi32, #tpu.memory_space<vmem>>)
      %add3A_57 = arith.addi %mul3A_2, %mul3A_50 : i32
      "tpu.region"() ({
        %run_scoped3A = tpu.sem_alloc : memref<!tpu.dma_semaphore, #tpu.memory_space<semaphore_mem>>
        %dma_start3A_58 = arith.constant 0 : i32
        %dma_start3A_59 = tpu.memref_slice %arg4[%add3A_57, %dma_start3A_58] : memref<76800x128xi32, #tpu.memory_space<hbm>> -> memref<200x128xi32, #tpu.memory_space<hbm>>
        %dma_start3A_60 = arith.constant 0 : i32
        %dma_start3A_61 = tpu.memref_slice %arg4[%add3A_57, %dma_start3A_60] : memref<76800x128xi32, #tpu.memory_space<hbm>> -> memref<200x128xi32, #tpu.memory_space<hbm>>
        tpu.enqueue_dma source(%arg6 : memref<200x128xi32, #tpu.memory_space<vmem>>) target(%dma_start3A_61 : memref<200x128xi32, #tpu.memory_space<hbm>>) target_semaphore(%run_scoped3A : memref<!tpu.dma_semaphore, #tpu.memory_space<semaphore_mem>>)
        %dma_wait3A_62 = arith.constant 0 : i32
        %dma_wait3A_63 = tpu.memref_slice %arg4[%add3A_57, %dma_wait3A_62] : memref<76800x128xi32, #tpu.memory_space<hbm>> -> memref<200x128xi32, #tpu.memory_space<hbm>>
        %dma_wait3A_64 = arith.constant 0 : i32
        %dma_wait3A_65 = tpu.memref_slice %arg4[%add3A_57, %dma_wait3A_64] : memref<76800x128xi32, #tpu.memory_space<hbm>> -> memref<200x128xi32, #tpu.memory_space<hbm>>
        tpu.wait_dma2 semaphore(%run_scoped3A : memref<!tpu.dma_semaphore, #tpu.memory_space<semaphore_mem>>) src(%arg6 : memref<200x128xi32, #tpu.memory_space<vmem>>) dst(%dma_wait3A_65 : memref<200x128xi32, #tpu.memory_space<hbm>>)
        tpu.yield
      }) : () -> ()
    }
    %scan3A_47 = arith.constant 12 : i32
    return
  }
}

module attributes {stable_mosaic.version = 14 : i64} {
  func.func @_pack_body(%arg0: i32, %arg1: memref<1000x256xf32, #tpu.memory_space<vmem>>, %arg2: memref<1000x128xi32, #tpu.memory_space<vmem>>) attributes {dimension_semantics = [#tpu.dimension_semantics<arbitrary>], iteration_bounds = array<i64: 10>, scalar_prefetch = 0 : i64, scratch_operands = 0 : i64, tpu.core_type = #tpu.core_type<tc>, window_params = [{transform_indices = @transform_0, window_bounds = array<i64: 1000, 256>}, {transform_indices = @transform_1, window_bounds = array<i64: 1000, 128>}]} {
    %get3A = arith.constant 0 : index
    %get3A_0 = arith.constant 0 : index
    %get3A_1 = vector.load %arg1[%get3A, %get3A_0] : memref<1000x256xf32, #tpu.memory_space<vmem>>, vector<1000x128xf32>
    %convert_element_type3A = arith.truncf %get3A_1 : vector<1000x128xf32> to vector<1000x128xbf16>
    %bitcast_convert_type3A = tpu.bitcast %convert_element_type3A : vector<1000x128xbf16> -> vector<1000x128xi16>
    %convert_element_type3A_2 = arith.extui %bitcast_convert_type3A : vector<1000x128xi16> to vector<1000x128xi32>
    %get3A_3 = arith.constant 0 : index
    %get3A_4 = arith.constant 128 : index
    %get3A_5 = vector.load %arg1[%get3A_3, %get3A_4] : memref<1000x256xf32, #tpu.memory_space<vmem>>, vector<1000x128xf32>
    %convert_element_type3A_6 = arith.truncf %get3A_5 : vector<1000x128xf32> to vector<1000x128xbf16>
    %bitcast_convert_type3A_7 = tpu.bitcast %convert_element_type3A_6 : vector<1000x128xbf16> -> vector<1000x128xi16>
    %convert_element_type3A_8 = arith.extui %bitcast_convert_type3A_7 : vector<1000x128xi16> to vector<1000x128xi32>
    %shift_left3A = arith.constant 16 : i32
    %shift_left3A_9 = vector.broadcast %shift_left3A : i32 to vector<1000x128xi32>
    %shift_left3A_10 = arith.shli %convert_element_type3A_8, %shift_left3A_9 : vector<1000x128xi32>
    %or3A = arith.ori %shift_left3A_10, %convert_element_type3A_2 : vector<1000x128xi32>
    %swap3A = arith.constant 0 : index
    %swap3A_11 = arith.constant 0 : index
    %swap3A_12 = vector.load %arg2[%swap3A, %swap3A_11] : memref<1000x128xi32, #tpu.memory_space<vmem>>, vector<1000x128xi32>
    tpu.vector_store %arg2[%swap3A, %swap3A_11], %or3A {strides = array<i32>} : memref<1000x128xi32, #tpu.memory_space<vmem>>, vector<1000x128xi32>,
    return
  }
  func.func @transform_0(%arg0: i32) -> (i32, i32) {
    %c0_i32 = arith.constant 0 : i32
    %c0_i32_0 = arith.constant 0 : i32
    return %arg0, %c0_i32 : i32, i32
  }
  func.func @transform_1(%arg0: i32) -> (i32, i32) {
    %c0_i32 = arith.constant 0 : i32
    %c0_i32_0 = arith.constant 0 : i32
    return %arg0, %c0_i32 : i32, i32
  }
}

module attributes {stable_mosaic.version = 14 : i64} {
  func.func @_mlp_body(%arg0: i32, %arg1: memref<1600x128xi32, #tpu.memory_space<vmem>>, %arg2: memref<1600x128xi32, #tpu.memory_space<vmem>>, %arg3: memref<512x1024xbf16, #tpu.memory_space<vmem>>, %arg4: memref<1x1024xf32, #tpu.memory_space<vmem>>, %arg5: memref<1024x512xbf16, #tpu.memory_space<vmem>>, %arg6: memref<1x512xf32, #tpu.memory_space<vmem>>, %arg7: memref<1600x512xf32, #tpu.memory_space<vmem>>) attributes {dimension_semantics = [#tpu.dimension_semantics<arbitrary>], iteration_bounds = array<i64: 8>, scalar_prefetch = 0 : i64, scratch_operands = 0 : i64, tpu.core_type = #tpu.core_type<tc>, window_params = [{transform_indices = @transform_0, window_bounds = array<i64: 1600, 128>}, {transform_indices = @transform_1, window_bounds = array<i64: 1600, 128>}, {pipeline_mode = #tpu.pipeline_mode<synchronous>, transform_indices = @transform_2, window_bounds = array<i64: 512, 1024>}, {pipeline_mode = #tpu.pipeline_mode<synchronous>, transform_indices = @transform_3, window_bounds = array<i64: 1, 1024>}, {pipeline_mode = #tpu.pipeline_mode<synchronous>, transform_indices = @transform_4, window_bounds = array<i64: 1024, 512>}, {pipeline_mode = #tpu.pipeline_mode<synchronous>, transform_indices = @transform_5, window_bounds = array<i64: 1, 512>}, {transform_indices = @transform_6, window_bounds = array<i64: 1600, 512>}]} {
    %get3A = arith.constant 0 : index
    %get3A_0 = arith.constant 0 : index
    %get3A_1 = vector.load %arg1[%get3A, %get3A_0] : memref<1600x128xi32, #tpu.memory_space<vmem>>, vector<1600x128xi32>
    %shift_left3A = arith.constant 16 : i32
    %shift_left3A_2 = vector.broadcast %shift_left3A : i32 to vector<1600x128xi32>
    %shift_left3A_3 = arith.shli %get3A_1, %shift_left3A_2 : vector<1600x128xi32>
    %bitcast_convert_type3A = tpu.bitcast %shift_left3A_3 : vector<1600x128xi32> -> vector<1600x128xf32>
    %and3A = arith.constant -65536 : i32
    %and3A_4 = vector.broadcast %and3A : i32 to vector<1600x128xi32>
    %and3A_5 = arith.andi %get3A_1, %and3A_4 : vector<1600x128xi32>
    %bitcast_convert_type3A_6 = tpu.bitcast %and3A_5 : vector<1600x128xi32> -> vector<1600x128xf32>
    %convert_element_type3A = arith.truncf %bitcast_convert_type3A : vector<1600x128xf32> to vector<1600x128xbf16>
    %convert_element_type3A_7 = arith.truncf %bitcast_convert_type3A_6 : vector<1600x128xf32> to vector<1600x128xbf16>
    %get3A_8 = arith.constant 0 : index
    %get3A_9 = arith.constant 0 : index
    %get3A_10 = vector.load %arg2[%get3A_8, %get3A_9] : memref<1600x128xi32, #tpu.memory_space<vmem>>, vector<1600x128xi32>
    %shift_left3A_11 = arith.constant 16 : i32
    %shift_left3A_12 = vector.broadcast %shift_left3A_11 : i32 to vector<1600x128xi32>
    %shift_left3A_13 = arith.shli %get3A_10, %shift_left3A_12 : vector<1600x128xi32>
    %bitcast_convert_type3A_14 = tpu.bitcast %shift_left3A_13 : vector<1600x128xi32> -> vector<1600x128xf32>
    %and3A_15 = arith.constant -65536 : i32
    %and3A_16 = vector.broadcast %and3A_15 : i32 to vector<1600x128xi32>
    %and3A_17 = arith.andi %get3A_10, %and3A_16 : vector<1600x128xi32>
    %bitcast_convert_type3A_18 = tpu.bitcast %and3A_17 : vector<1600x128xi32> -> vector<1600x128xf32>
    %convert_element_type3A_19 = arith.truncf %bitcast_convert_type3A_14 : vector<1600x128xf32> to vector<1600x128xbf16>
    %convert_element_type3A_20 = arith.truncf %bitcast_convert_type3A_18 : vector<1600x128xf32> to vector<1600x128xbf16>
    %concatenate3A = tpu.concatenate %convert_element_type3A, %convert_element_type3A_7, %convert_element_type3A_19, %convert_element_type3A_20 in 1 : vector<1600x128xbf16>, vector<1600x128xbf16>, vector<1600x128xbf16>, vector<1600x128xbf16> -> vector<1600x512xbf16>
    %get3A_21 = arith.constant 0 : index
    %get3A_22 = arith.constant 0 : index
    %get3A_23 = vector.load %arg3[%get3A_21, %get3A_22] : memref<512x1024xbf16, #tpu.memory_space<vmem>>, vector<512x1024xbf16>
    %dot_general3A = arith.constant dense<0.000000e+00> : vector<1600x1024xf32>
    %dot_general3A_24 = tpu.matmul %concatenate3A, %get3A_23, %dot_general3A {dimension_numbers = #tpu.dot_dimension_numbers<[1], [0], [0], [1], [0, 0, 1, 1], [], []>, transpose_lhs_hint = false} : vector<1600x512xbf16>, vector<512x1024xbf16>, vector<1600x1024xf32> -> vector<1600x1024xf32>
    %get3A_25 = arith.constant 0 : index
    %get3A_26 = arith.constant 0 : index
    %get3A_27 = vector.load %arg4[%get3A_25, %get3A_26] : memref<1x1024xf32, #tpu.memory_space<vmem>>, vector<1x1024xf32>
    %add3A = vector.broadcast %get3A_27 : vector<1x1024xf32> to vector<1600x1024xf32>
    %add3A_28 = arith.addf %dot_general3A_24, %add3A : vector<1600x1024xf32>
    %max3A = arith.constant 0.000000e+00 : f32
    %max3A_29 = vector.broadcast %max3A : f32 to vector<1600x1024xf32>
    %max3A_30 = arith.maximumf %add3A_28, %max3A_29 : vector<1600x1024xf32>
    %convert_element_type3A_31 = arith.truncf %max3A_30 : vector<1600x1024xf32> to vector<1600x1024xbf16>
    %get3A_32 = arith.constant 0 : index
    %get3A_33 = arith.constant 0 : index
    %get3A_34 = vector.load %arg5[%get3A_32, %get3A_33] : memref<1024x512xbf16, #tpu.memory_space<vmem>>, vector<1024x512xbf16>
    %dot_general3A_35 = arith.constant dense<0.000000e+00> : vector<1600x512xf32>
    %dot_general3A_36 = tpu.matmul %convert_element_type3A_31, %get3A_34, %dot_general3A_35 {dimension_numbers = #tpu.dot_dimension_numbers<[1], [0], [0], [1], [0, 0, 1, 1], [], []>, transpose_lhs_hint = false} : vector<1600x1024xbf16>, vector<1024x512xbf16>, vector<1600x512xf32> -> vector<1600x512xf32>
    %get3A_37 = arith.constant 0 : index
    %get3A_38 = arith.constant 0 : index
    %get3A_39 = vector.load %arg6[%get3A_37, %get3A_38] : memref<1x512xf32, #tpu.memory_space<vmem>>, vector<1x512xf32>
    %add3A_40 = vector.broadcast %get3A_39 : vector<1x512xf32> to vector<1600x512xf32>
    %add3A_41 = arith.addf %dot_general3A_36, %add3A_40 : vector<1600x512xf32>
    %max3A_42 = arith.constant 0.000000e+00 : f32
    %max3A_43 = vector.broadcast %max3A_42 : f32 to vector<1600x512xf32>
    %max3A_44 = arith.maximumf %add3A_41, %max3A_43 : vector<1600x512xf32>
    %swap3A = arith.constant 0 : index
    %swap3A_45 = arith.constant 0 : index
    %swap3A_46 = vector.load %arg7[%swap3A, %swap3A_45] : memref<1600x512xf32, #tpu.memory_space<vmem>>, vector<1600x512xf32>
    tpu.vector_store %arg7[%swap3A, %swap3A_45], %max3A_44 {strides = array<i32>} : memref<1600x512xf32, #tpu.memory_space<vmem>>, vector<1600x512xf32>,
    return
  }
  func.func @transform_0(%arg0: i32) -> (i32, i32) {
    %c0_i32 = arith.constant 0 : i32
    %c0_i32_0 = arith.constant 0 : i32
    return %arg0, %c0_i32 : i32, i32
  }
  func.func @transform_1(%arg0: i32) -> (i32, i32) {
    %add3A = arith.constant 8 : i32
    %add3A_0 = arith.addi %arg0, %add3A : i32
    %c0_i32 = arith.constant 0 : i32
    %c0_i32_1 = arith.constant 0 : i32
    return %add3A_0, %c0_i32 : i32, i32
  }
  func.func @transform_2(%arg0: i32) -> (i32, i32) {
    %c0_i32 = arith.constant 0 : i32
    %c0_i32_0 = arith.constant 0 : i32
    %c0_i32_1 = arith.constant 0 : i32
    return %c0_i32, %c0_i32_0 : i32, i32
  }
  func.func @transform_3(%arg0: i32) -> (i32, i32) {
    %c0_i32 = arith.constant 0 : i32
    %c0_i32_0 = arith.constant 0 : i32
    %c0_i32_1 = arith.constant 0 : i32
    return %c0_i32, %c0_i32_0 : i32, i32
  }
  func.func @transform_4(%arg0: i32) -> (i32, i32) {
    %c0_i32 = arith.constant 0 : i32
    %c0_i32_0 = arith.constant 0 : i32
    %c0_i32_1 = arith.constant 0 : i32
    return %c0_i32, %c0_i32_0 : i32, i32
  }
  func.func @transform_5(%arg0: i32) -> (i32, i32) {
    %c0_i32 = arith.constant 0 : i32
    %c0_i32_0 = arith.constant 0 : i32
    %c0_i32_1 = arith.constant 0 : i32
    return %c0_i32, %c0_i32_0 : i32, i32
  }
  func.func @transform_6(%arg0: i32) -> (i32, i32) {
    %add3A = arith.constant 0 : i32
    %add3A_0 = arith.addi %arg0, %add3A : i32
    %c0_i32 = arith.constant 0 : i32
    %c0_i32_1 = arith.constant 0 : i32
    return %add3A_0, %c0_i32 : i32, i32
  }
}

module attributes {stable_mosaic.version = 14 : i64} {
  func.func @_mlp_body_acc(%arg0: i32, %arg1: memref<1600x128xi32, #tpu.memory_space<vmem>>, %arg2: memref<1600x128xi32, #tpu.memory_space<vmem>>, %arg3: memref<512x1024xbf16, #tpu.memory_space<vmem>>, %arg4: memref<1x1024xf32, #tpu.memory_space<vmem>>, %arg5: memref<1024x512xbf16, #tpu.memory_space<vmem>>, %arg6: memref<1x512xf32, #tpu.memory_space<vmem>>, %arg7: memref<160000x512xf32, #tpu.memory_space<any>>, %arg8: memref<1600x512xf32, #tpu.memory_space<vmem>>) attributes {dimension_semantics = [#tpu.dimension_semantics<arbitrary>], iteration_bounds = array<i64: 16>, scalar_prefetch = 0 : i64, scratch_operands = 0 : i64, tpu.core_type = #tpu.core_type<tc>, window_params = [{transform_indices = @transform_0, window_bounds = array<i64: 1600, 128>}, {transform_indices = @transform_1, window_bounds = array<i64: 1600, 128>}, {pipeline_mode = #tpu.pipeline_mode<synchronous>, transform_indices = @transform_2, window_bounds = array<i64: 512, 1024>}, {pipeline_mode = #tpu.pipeline_mode<synchronous>, transform_indices = @transform_3, window_bounds = array<i64: 1, 1024>}, {pipeline_mode = #tpu.pipeline_mode<synchronous>, transform_indices = @transform_4, window_bounds = array<i64: 1024, 512>}, {pipeline_mode = #tpu.pipeline_mode<synchronous>, transform_indices = @transform_5, window_bounds = array<i64: 1, 512>}, {}, {transform_indices = @transform_7, window_bounds = array<i64: 1600, 512>}]} {
    %get3A = arith.constant 0 : index
    %get3A_0 = arith.constant 0 : index
    %get3A_1 = vector.load %arg1[%get3A, %get3A_0] : memref<1600x128xi32, #tpu.memory_space<vmem>>, vector<1600x128xi32>
    %shift_left3A = arith.constant 16 : i32
    %shift_left3A_2 = vector.broadcast %shift_left3A : i32 to vector<1600x128xi32>
    %shift_left3A_3 = arith.shli %get3A_1, %shift_left3A_2 : vector<1600x128xi32>
    %bitcast_convert_type3A = tpu.bitcast %shift_left3A_3 : vector<1600x128xi32> -> vector<1600x128xf32>
    %and3A = arith.constant -65536 : i32
    %and3A_4 = vector.broadcast %and3A : i32 to vector<1600x128xi32>
    %and3A_5 = arith.andi %get3A_1, %and3A_4 : vector<1600x128xi32>
    %bitcast_convert_type3A_6 = tpu.bitcast %and3A_5 : vector<1600x128xi32> -> vector<1600x128xf32>
    %convert_element_type3A = arith.truncf %bitcast_convert_type3A : vector<1600x128xf32> to vector<1600x128xbf16>
    %convert_element_type3A_7 = arith.truncf %bitcast_convert_type3A_6 : vector<1600x128xf32> to vector<1600x128xbf16>
    %get3A_8 = arith.constant 0 : index
    %get3A_9 = arith.constant 0 : index
    %get3A_10 = vector.load %arg2[%get3A_8, %get3A_9] : memref<1600x128xi32, #tpu.memory_space<vmem>>, vector<1600x128xi32>
    %shift_left3A_11 = arith.constant 16 : i32
    %shift_left3A_12 = vector.broadcast %shift_left3A_11 : i32 to vector<1600x128xi32>
    %shift_left3A_13 = arith.shli %get3A_10, %shift_left3A_12 : vector<1600x128xi32>
    %bitcast_convert_type3A_14 = tpu.bitcast %shift_left3A_13 : vector<1600x128xi32> -> vector<1600x128xf32>
    %and3A_15 = arith.constant -65536 : i32
    %and3A_16 = vector.broadcast %and3A_15 : i32 to vector<1600x128xi32>
    %and3A_17 = arith.andi %get3A_10, %and3A_16 : vector<1600x128xi32>
    %bitcast_convert_type3A_18 = tpu.bitcast %and3A_17 : vector<1600x128xi32> -> vector<1600x128xf32>
    %convert_element_type3A_19 = arith.truncf %bitcast_convert_type3A_14 : vector<1600x128xf32> to vector<1600x128xbf16>
    %convert_element_type3A_20 = arith.truncf %bitcast_convert_type3A_18 : vector<1600x128xf32> to vector<1600x128xbf16>
    %concatenate3A = tpu.concatenate %convert_element_type3A, %convert_element_type3A_7, %convert_element_type3A_19, %convert_element_type3A_20 in 1 : vector<1600x128xbf16>, vector<1600x128xbf16>, vector<1600x128xbf16>, vector<1600x128xbf16> -> vector<1600x512xbf16>
    %get3A_21 = arith.constant 0 : index
    %get3A_22 = arith.constant 0 : index
    %get3A_23 = vector.load %arg3[%get3A_21, %get3A_22] : memref<512x1024xbf16, #tpu.memory_space<vmem>>, vector<512x1024xbf16>
    %dot_general3A = arith.constant dense<0.000000e+00> : vector<1600x1024xf32>
    %dot_general3A_24 = tpu.matmul %concatenate3A, %get3A_23, %dot_general3A {dimension_numbers = #tpu.dot_dimension_numbers<[1], [0], [0], [1], [0, 0, 1, 1], [], []>, transpose_lhs_hint = false} : vector<1600x512xbf16>, vector<512x1024xbf16>, vector<1600x1024xf32> -> vector<1600x1024xf32>
    %get3A_25 = arith.constant 0 : index
    %get3A_26 = arith.constant 0 : index
    %get3A_27 = vector.load %arg4[%get3A_25, %get3A_26] : memref<1x1024xf32, #tpu.memory_space<vmem>>, vector<1x1024xf32>
    %add3A = vector.broadcast %get3A_27 : vector<1x1024xf32> to vector<1600x1024xf32>
    %add3A_28 = arith.addf %dot_general3A_24, %add3A : vector<1600x1024xf32>
    %max3A = arith.constant 0.000000e+00 : f32
    %max3A_29 = vector.broadcast %max3A : f32 to vector<1600x1024xf32>
    %max3A_30 = arith.maximumf %add3A_28, %max3A_29 : vector<1600x1024xf32>
    %convert_element_type3A_31 = arith.truncf %max3A_30 : vector<1600x1024xf32> to vector<1600x1024xbf16>
    %get3A_32 = arith.constant 0 : index
    %get3A_33 = arith.constant 0 : index
    %get3A_34 = vector.load %arg5[%get3A_32, %get3A_33] : memref<1024x512xbf16, #tpu.memory_space<vmem>>, vector<1024x512xbf16>
    %dot_general3A_35 = arith.constant dense<0.000000e+00> : vector<1600x512xf32>
    %dot_general3A_36 = tpu.matmul %convert_element_type3A_31, %get3A_34, %dot_general3A_35 {dimension_numbers = #tpu.dot_dimension_numbers<[1], [0], [0], [1], [0, 0, 1, 1], [], []>, transpose_lhs_hint = false} : vector<1600x1024xbf16>, vector<1024x512xbf16>, vector<1600x512xf32> -> vector<1600x512xf32>
    %get3A_37 = arith.constant 0 : index
    %get3A_38 = arith.constant 0 : index
    %get3A_39 = vector.load %arg6[%get3A_37, %get3A_38] : memref<1x512xf32, #tpu.memory_space<vmem>>, vector<1x512xf32>
    %add3A_40 = vector.broadcast %get3A_39 : vector<1x512xf32> to vector<1600x512xf32>
    %add3A_41 = arith.addf %dot_general3A_36, %add3A_40 : vector<1600x512xf32>
    %max3A_42 = arith.constant 0.000000e+00 : f32
    %max3A_43 = vector.broadcast %max3A_42 : f32 to vector<1600x512xf32>
    %max3A_44 = arith.maximumf %add3A_41, %max3A_43 : vector<1600x512xf32>
    %swap3A = arith.constant 0 : index
    %swap3A_45 = arith.constant 0 : index
    %swap3A_46 = vector.load %arg8[%swap3A, %swap3A_45] : memref<1600x512xf32, #tpu.memory_space<vmem>>, vector<1600x512xf32>
    tpu.vector_store %arg8[%swap3A, %swap3A_45], %max3A_44 {strides = array<i32>} : memref<1600x512xf32, #tpu.memory_space<vmem>>, vector<1600x512xf32>,
    return
  }
  func.func @transform_0(%arg0: i32) -> (i32, i32) {
    %c0_i32 = arith.constant 0 : i32
    %c0_i32_0 = arith.constant 0 : i32
    return %arg0, %c0_i32 : i32, i32
  }
  func.func @transform_1(%arg0: i32) -> (i32, i32) {
    %add3A = arith.constant 16 : i32
    %add3A_0 = arith.addi %arg0, %add3A : i32
    %c0_i32 = arith.constant 0 : i32
    %c0_i32_1 = arith.constant 0 : i32
    return %add3A_0, %c0_i32 : i32, i32
  }
  func.func @transform_2(%arg0: i32) -> (i32, i32) {
    %c0_i32 = arith.constant 0 : i32
    %c0_i32_0 = arith.constant 0 : i32
    %c0_i32_1 = arith.constant 0 : i32
    return %c0_i32, %c0_i32_0 : i32, i32
  }
  func.func @transform_3(%arg0: i32) -> (i32, i32) {
    %c0_i32 = arith.constant 0 : i32
    %c0_i32_0 = arith.constant 0 : i32
    %c0_i32_1 = arith.constant 0 : i32
    return %c0_i32, %c0_i32_0 : i32, i32
  }
  func.func @transform_4(%arg0: i32) -> (i32, i32) {
    %c0_i32 = arith.constant 0 : i32
    %c0_i32_0 = arith.constant 0 : i32
    %c0_i32_1 = arith.constant 0 : i32
    return %c0_i32, %c0_i32_0 : i32, i32
  }
  func.func @transform_5(%arg0: i32) -> (i32, i32) {
    %c0_i32 = arith.constant 0 : i32
    %c0_i32_0 = arith.constant 0 : i32
    %c0_i32_1 = arith.constant 0 : i32
    return %c0_i32, %c0_i32_0 : i32, i32
  }
  func.func @transform_7(%arg0: i32) -> (i32, i32) {
    %add3A = arith.constant 8 : i32
    %add3A_0 = arith.addi %arg0, %add3A : i32
    %c0_i32 = arith.constant 0 : i32
    %c0_i32_1 = arith.constant 0 : i32
    return %add3A_0, %c0_i32 : i32, i32
  }
}

module attributes {stable_mosaic.version = 14 : i64} {
  func.func @_mlp_body_acc(%arg0: i32, %arg1: memref<1600x128xi32, #tpu.memory_space<vmem>>, %arg2: memref<1600x128xi32, #tpu.memory_space<vmem>>, %arg3: memref<512x1024xbf16, #tpu.memory_space<vmem>>, %arg4: memref<1x1024xf32, #tpu.memory_space<vmem>>, %arg5: memref<1024x512xbf16, #tpu.memory_space<vmem>>, %arg6: memref<1x512xf32, #tpu.memory_space<vmem>>, %arg7: memref<160000x512xf32, #tpu.memory_space<any>>, %arg8: memref<1600x512xf32, #tpu.memory_space<vmem>>) attributes {dimension_semantics = [#tpu.dimension_semantics<arbitrary>], iteration_bounds = array<i64: 24>, scalar_prefetch = 0 : i64, scratch_operands = 0 : i64, tpu.core_type = #tpu.core_type<tc>, window_params = [{transform_indices = @transform_0, window_bounds = array<i64: 1600, 128>}, {transform_indices = @transform_1, window_bounds = array<i64: 1600, 128>}, {pipeline_mode = #tpu.pipeline_mode<synchronous>, transform_indices = @transform_2, window_bounds = array<i64: 512, 1024>}, {pipeline_mode = #tpu.pipeline_mode<synchronous>, transform_indices = @transform_3, window_bounds = array<i64: 1, 1024>}, {pipeline_mode = #tpu.pipeline_mode<synchronous>, transform_indices = @transform_4, window_bounds = array<i64: 1024, 512>}, {pipeline_mode = #tpu.pipeline_mode<synchronous>, transform_indices = @transform_5, window_bounds = array<i64: 1, 512>}, {}, {transform_indices = @transform_7, window_bounds = array<i64: 1600, 512>}]} {
    %get3A = arith.constant 0 : index
    %get3A_0 = arith.constant 0 : index
    %get3A_1 = vector.load %arg1[%get3A, %get3A_0] : memref<1600x128xi32, #tpu.memory_space<vmem>>, vector<1600x128xi32>
    %shift_left3A = arith.constant 16 : i32
    %shift_left3A_2 = vector.broadcast %shift_left3A : i32 to vector<1600x128xi32>
    %shift_left3A_3 = arith.shli %get3A_1, %shift_left3A_2 : vector<1600x128xi32>
    %bitcast_convert_type3A = tpu.bitcast %shift_left3A_3 : vector<1600x128xi32> -> vector<1600x128xf32>
    %and3A = arith.constant -65536 : i32
    %and3A_4 = vector.broadcast %and3A : i32 to vector<1600x128xi32>
    %and3A_5 = arith.andi %get3A_1, %and3A_4 : vector<1600x128xi32>
    %bitcast_convert_type3A_6 = tpu.bitcast %and3A_5 : vector<1600x128xi32> -> vector<1600x128xf32>
    %convert_element_type3A = arith.truncf %bitcast_convert_type3A : vector<1600x128xf32> to vector<1600x128xbf16>
    %convert_element_type3A_7 = arith.truncf %bitcast_convert_type3A_6 : vector<1600x128xf32> to vector<1600x128xbf16>
    %get3A_8 = arith.constant 0 : index
    %get3A_9 = arith.constant 0 : index
    %get3A_10 = vector.load %arg2[%get3A_8, %get3A_9] : memref<1600x128xi32, #tpu.memory_space<vmem>>, vector<1600x128xi32>
    %shift_left3A_11 = arith.constant 16 : i32
    %shift_left3A_12 = vector.broadcast %shift_left3A_11 : i32 to vector<1600x128xi32>
    %shift_left3A_13 = arith.shli %get3A_10, %shift_left3A_12 : vector<1600x128xi32>
    %bitcast_convert_type3A_14 = tpu.bitcast %shift_left3A_13 : vector<1600x128xi32> -> vector<1600x128xf32>
    %and3A_15 = arith.constant -65536 : i32
    %and3A_16 = vector.broadcast %and3A_15 : i32 to vector<1600x128xi32>
    %and3A_17 = arith.andi %get3A_10, %and3A_16 : vector<1600x128xi32>
    %bitcast_convert_type3A_18 = tpu.bitcast %and3A_17 : vector<1600x128xi32> -> vector<1600x128xf32>
    %convert_element_type3A_19 = arith.truncf %bitcast_convert_type3A_14 : vector<1600x128xf32> to vector<1600x128xbf16>
    %convert_element_type3A_20 = arith.truncf %bitcast_convert_type3A_18 : vector<1600x128xf32> to vector<1600x128xbf16>
    %concatenate3A = tpu.concatenate %convert_element_type3A, %convert_element_type3A_7, %convert_element_type3A_19, %convert_element_type3A_20 in 1 : vector<1600x128xbf16>, vector<1600x128xbf16>, vector<1600x128xbf16>, vector<1600x128xbf16> -> vector<1600x512xbf16>
    %get3A_21 = arith.constant 0 : index
    %get3A_22 = arith.constant 0 : index
    %get3A_23 = vector.load %arg3[%get3A_21, %get3A_22] : memref<512x1024xbf16, #tpu.memory_space<vmem>>, vector<512x1024xbf16>
    %dot_general3A = arith.constant dense<0.000000e+00> : vector<1600x1024xf32>
    %dot_general3A_24 = tpu.matmul %concatenate3A, %get3A_23, %dot_general3A {dimension_numbers = #tpu.dot_dimension_numbers<[1], [0], [0], [1], [0, 0, 1, 1], [], []>, transpose_lhs_hint = false} : vector<1600x512xbf16>, vector<512x1024xbf16>, vector<1600x1024xf32> -> vector<1600x1024xf32>
    %get3A_25 = arith.constant 0 : index
    %get3A_26 = arith.constant 0 : index
    %get3A_27 = vector.load %arg4[%get3A_25, %get3A_26] : memref<1x1024xf32, #tpu.memory_space<vmem>>, vector<1x1024xf32>
    %add3A = vector.broadcast %get3A_27 : vector<1x1024xf32> to vector<1600x1024xf32>
    %add3A_28 = arith.addf %dot_general3A_24, %add3A : vector<1600x1024xf32>
    %max3A = arith.constant 0.000000e+00 : f32
    %max3A_29 = vector.broadcast %max3A : f32 to vector<1600x1024xf32>
    %max3A_30 = arith.maximumf %add3A_28, %max3A_29 : vector<1600x1024xf32>
    %convert_element_type3A_31 = arith.truncf %max3A_30 : vector<1600x1024xf32> to vector<1600x1024xbf16>
    %get3A_32 = arith.constant 0 : index
    %get3A_33 = arith.constant 0 : index
    %get3A_34 = vector.load %arg5[%get3A_32, %get3A_33] : memref<1024x512xbf16, #tpu.memory_space<vmem>>, vector<1024x512xbf16>
    %dot_general3A_35 = arith.constant dense<0.000000e+00> : vector<1600x512xf32>
    %dot_general3A_36 = tpu.matmul %convert_element_type3A_31, %get3A_34, %dot_general3A_35 {dimension_numbers = #tpu.dot_dimension_numbers<[1], [0], [0], [1], [0, 0, 1, 1], [], []>, transpose_lhs_hint = false} : vector<1600x1024xbf16>, vector<1024x512xbf16>, vector<1600x512xf32> -> vector<1600x512xf32>
    %get3A_37 = arith.constant 0 : index
    %get3A_38 = arith.constant 0 : index
    %get3A_39 = vector.load %arg6[%get3A_37, %get3A_38] : memref<1x512xf32, #tpu.memory_space<vmem>>, vector<1x512xf32>
    %add3A_40 = vector.broadcast %get3A_39 : vector<1x512xf32> to vector<1600x512xf32>
    %add3A_41 = arith.addf %dot_general3A_36, %add3A_40 : vector<1600x512xf32>
    %max3A_42 = arith.constant 0.000000e+00 : f32
    %max3A_43 = vector.broadcast %max3A_42 : f32 to vector<1600x512xf32>
    %max3A_44 = arith.maximumf %add3A_41, %max3A_43 : vector<1600x512xf32>
    %swap3A = arith.constant 0 : index
    %swap3A_45 = arith.constant 0 : index
    %swap3A_46 = vector.load %arg8[%swap3A, %swap3A_45] : memref<1600x512xf32, #tpu.memory_space<vmem>>, vector<1600x512xf32>
    tpu.vector_store %arg8[%swap3A, %swap3A_45], %max3A_44 {strides = array<i32>} : memref<1600x512xf32, #tpu.memory_space<vmem>>, vector<1600x512xf32>,
    return
  }
  func.func @transform_0(%arg0: i32) -> (i32, i32) {
    %c0_i32 = arith.constant 0 : i32
    %c0_i32_0 = arith.constant 0 : i32
    return %arg0, %c0_i32 : i32, i32
  }
  func.func @transform_1(%arg0: i32) -> (i32, i32) {
    %add3A = arith.constant 24 : i32
    %add3A_0 = arith.addi %arg0, %add3A : i32
    %c0_i32 = arith.constant 0 : i32
    %c0_i32_1 = arith.constant 0 : i32
    return %add3A_0, %c0_i32 : i32, i32
  }
  func.func @transform_2(%arg0: i32) -> (i32, i32) {
    %c0_i32 = arith.constant 0 : i32
    %c0_i32_0 = arith.constant 0 : i32
    %c0_i32_1 = arith.constant 0 : i32
    return %c0_i32, %c0_i32_0 : i32, i32
  }
  func.func @transform_3(%arg0: i32) -> (i32, i32) {
    %c0_i32 = arith.constant 0 : i32
    %c0_i32_0 = arith.constant 0 : i32
    %c0_i32_1 = arith.constant 0 : i32
    return %c0_i32, %c0_i32_0 : i32, i32
  }
  func.func @transform_4(%arg0: i32) -> (i32, i32) {
    %c0_i32 = arith.constant 0 : i32
    %c0_i32_0 = arith.constant 0 : i32
    %c0_i32_1 = arith.constant 0 : i32
    return %c0_i32, %c0_i32_0 : i32, i32
  }
  func.func @transform_5(%arg0: i32) -> (i32, i32) {
    %c0_i32 = arith.constant 0 : i32
    %c0_i32_0 = arith.constant 0 : i32
    %c0_i32_1 = arith.constant 0 : i32
    return %c0_i32, %c0_i32_0 : i32, i32
  }
  func.func @transform_7(%arg0: i32) -> (i32, i32) {
    %add3A = arith.constant 24 : i32
    %add3A_0 = arith.addi %arg0, %add3A : i32
    %c0_i32 = arith.constant 0 : i32
    %c0_i32_1 = arith.constant 0 : i32
    return %add3A_0, %c0_i32 : i32, i32
  }
}

module attributes {stable_mosaic.version = 14 : i64} {
  func.func @_mlp_body_acc(%arg0: i32, %arg1: memref<1600x128xi32, #tpu.memory_space<vmem>>, %arg2: memref<1600x128xi32, #tpu.memory_space<vmem>>, %arg3: memref<512x1024xbf16, #tpu.memory_space<vmem>>, %arg4: memref<1x1024xf32, #tpu.memory_space<vmem>>, %arg5: memref<1024x512xbf16, #tpu.memory_space<vmem>>, %arg6: memref<1x512xf32, #tpu.memory_space<vmem>>, %arg7: memref<160000x512xf32, #tpu.memory_space<any>>, %arg8: memref<1600x512xf32, #tpu.memory_space<vmem>>) attributes {dimension_semantics = [#tpu.dimension_semantics<arbitrary>], iteration_bounds = array<i64: 28>, scalar_prefetch = 0 : i64, scratch_operands = 0 : i64, tpu.core_type = #tpu.core_type<tc>, window_params = [{transform_indices = @transform_0, window_bounds = array<i64: 1600, 128>}, {transform_indices = @transform_1, window_bounds = array<i64: 1600, 128>}, {pipeline_mode = #tpu.pipeline_mode<synchronous>, transform_indices = @transform_2, window_bounds = array<i64: 512, 1024>}, {pipeline_mode = #tpu.pipeline_mode<synchronous>, transform_indices = @transform_3, window_bounds = array<i64: 1, 1024>}, {pipeline_mode = #tpu.pipeline_mode<synchronous>, transform_indices = @transform_4, window_bounds = array<i64: 1024, 512>}, {pipeline_mode = #tpu.pipeline_mode<synchronous>, transform_indices = @transform_5, window_bounds = array<i64: 1, 512>}, {}, {transform_indices = @transform_7, window_bounds = array<i64: 1600, 512>}]} {
    %get3A = arith.constant 0 : index
    %get3A_0 = arith.constant 0 : index
    %get3A_1 = vector.load %arg1[%get3A, %get3A_0] : memref<1600x128xi32, #tpu.memory_space<vmem>>, vector<1600x128xi32>
    %shift_left3A = arith.constant 16 : i32
    %shift_left3A_2 = vector.broadcast %shift_left3A : i32 to vector<1600x128xi32>
    %shift_left3A_3 = arith.shli %get3A_1, %shift_left3A_2 : vector<1600x128xi32>
    %bitcast_convert_type3A = tpu.bitcast %shift_left3A_3 : vector<1600x128xi32> -> vector<1600x128xf32>
    %and3A = arith.constant -65536 : i32
    %and3A_4 = vector.broadcast %and3A : i32 to vector<1600x128xi32>
    %and3A_5 = arith.andi %get3A_1, %and3A_4 : vector<1600x128xi32>
    %bitcast_convert_type3A_6 = tpu.bitcast %and3A_5 : vector<1600x128xi32> -> vector<1600x128xf32>
    %convert_element_type3A = arith.truncf %bitcast_convert_type3A : vector<1600x128xf32> to vector<1600x128xbf16>
    %convert_element_type3A_7 = arith.truncf %bitcast_convert_type3A_6 : vector<1600x128xf32> to vector<1600x128xbf16>
    %get3A_8 = arith.constant 0 : index
    %get3A_9 = arith.constant 0 : index
    %get3A_10 = vector.load %arg2[%get3A_8, %get3A_9] : memref<1600x128xi32, #tpu.memory_space<vmem>>, vector<1600x128xi32>
    %shift_left3A_11 = arith.constant 16 : i32
    %shift_left3A_12 = vector.broadcast %shift_left3A_11 : i32 to vector<1600x128xi32>
    %shift_left3A_13 = arith.shli %get3A_10, %shift_left3A_12 : vector<1600x128xi32>
    %bitcast_convert_type3A_14 = tpu.bitcast %shift_left3A_13 : vector<1600x128xi32> -> vector<1600x128xf32>
    %and3A_15 = arith.constant -65536 : i32
    %and3A_16 = vector.broadcast %and3A_15 : i32 to vector<1600x128xi32>
    %and3A_17 = arith.andi %get3A_10, %and3A_16 : vector<1600x128xi32>
    %bitcast_convert_type3A_18 = tpu.bitcast %and3A_17 : vector<1600x128xi32> -> vector<1600x128xf32>
    %convert_element_type3A_19 = arith.truncf %bitcast_convert_type3A_14 : vector<1600x128xf32> to vector<1600x128xbf16>
    %convert_element_type3A_20 = arith.truncf %bitcast_convert_type3A_18 : vector<1600x128xf32> to vector<1600x128xbf16>
    %concatenate3A = tpu.concatenate %convert_element_type3A, %convert_element_type3A_7, %convert_element_type3A_19, %convert_element_type3A_20 in 1 : vector<1600x128xbf16>, vector<1600x128xbf16>, vector<1600x128xbf16>, vector<1600x128xbf16> -> vector<1600x512xbf16>
    %get3A_21 = arith.constant 0 : index
    %get3A_22 = arith.constant 0 : index
    %get3A_23 = vector.load %arg3[%get3A_21, %get3A_22] : memref<512x1024xbf16, #tpu.memory_space<vmem>>, vector<512x1024xbf16>
    %dot_general3A = arith.constant dense<0.000000e+00> : vector<1600x1024xf32>
    %dot_general3A_24 = tpu.matmul %concatenate3A, %get3A_23, %dot_general3A {dimension_numbers = #tpu.dot_dimension_numbers<[1], [0], [0], [1], [0, 0, 1, 1], [], []>, transpose_lhs_hint = false} : vector<1600x512xbf16>, vector<512x1024xbf16>, vector<1600x1024xf32> -> vector<1600x1024xf32>
    %get3A_25 = arith.constant 0 : index
    %get3A_26 = arith.constant 0 : index
    %get3A_27 = vector.load %arg4[%get3A_25, %get3A_26] : memref<1x1024xf32, #tpu.memory_space<vmem>>, vector<1x1024xf32>
    %add3A = vector.broadcast %get3A_27 : vector<1x1024xf32> to vector<1600x1024xf32>
    %add3A_28 = arith.addf %dot_general3A_24, %add3A : vector<1600x1024xf32>
    %max3A = arith.constant 0.000000e+00 : f32
    %max3A_29 = vector.broadcast %max3A : f32 to vector<1600x1024xf32>
    %max3A_30 = arith.maximumf %add3A_28, %max3A_29 : vector<1600x1024xf32>
    %convert_element_type3A_31 = arith.truncf %max3A_30 : vector<1600x1024xf32> to vector<1600x1024xbf16>
    %get3A_32 = arith.constant 0 : index
    %get3A_33 = arith.constant 0 : index
    %get3A_34 = vector.load %arg5[%get3A_32, %get3A_33] : memref<1024x512xbf16, #tpu.memory_space<vmem>>, vector<1024x512xbf16>
    %dot_general3A_35 = arith.constant dense<0.000000e+00> : vector<1600x512xf32>
    %dot_general3A_36 = tpu.matmul %convert_element_type3A_31, %get3A_34, %dot_general3A_35 {dimension_numbers = #tpu.dot_dimension_numbers<[1], [0], [0], [1], [0, 0, 1, 1], [], []>, transpose_lhs_hint = false} : vector<1600x1024xbf16>, vector<1024x512xbf16>, vector<1600x512xf32> -> vector<1600x512xf32>
    %get3A_37 = arith.constant 0 : index
    %get3A_38 = arith.constant 0 : index
    %get3A_39 = vector.load %arg6[%get3A_37, %get3A_38] : memref<1x512xf32, #tpu.memory_space<vmem>>, vector<1x512xf32>
    %add3A_40 = vector.broadcast %get3A_39 : vector<1x512xf32> to vector<1600x512xf32>
    %add3A_41 = arith.addf %dot_general3A_36, %add3A_40 : vector<1600x512xf32>
    %max3A_42 = arith.constant 0.000000e+00 : f32
    %max3A_43 = vector.broadcast %max3A_42 : f32 to vector<1600x512xf32>
    %max3A_44 = arith.maximumf %add3A_41, %max3A_43 : vector<1600x512xf32>
    %swap3A = arith.constant 0 : index
    %swap3A_45 = arith.constant 0 : index
    %swap3A_46 = vector.load %arg8[%swap3A, %swap3A_45] : memref<1600x512xf32, #tpu.memory_space<vmem>>, vector<1600x512xf32>
    tpu.vector_store %arg8[%swap3A, %swap3A_45], %max3A_44 {strides = array<i32>} : memref<1600x512xf32, #tpu.memory_space<vmem>>, vector<1600x512xf32>,
    return
  }
  func.func @transform_0(%arg0: i32) -> (i32, i32) {
    %c0_i32 = arith.constant 0 : i32
    %c0_i32_0 = arith.constant 0 : i32
    return %arg0, %c0_i32 : i32, i32
  }
  func.func @transform_1(%arg0: i32) -> (i32, i32) {
    %add3A = arith.constant 28 : i32
    %add3A_0 = arith.addi %arg0, %add3A : i32
    %c0_i32 = arith.constant 0 : i32
    %c0_i32_1 = arith.constant 0 : i32
    return %add3A_0, %c0_i32 : i32, i32
  }
  func.func @transform_2(%arg0: i32) -> (i32, i32) {
    %c0_i32 = arith.constant 0 : i32
    %c0_i32_0 = arith.constant 0 : i32
    %c0_i32_1 = arith.constant 0 : i32
    return %c0_i32, %c0_i32_0 : i32, i32
  }
  func.func @transform_3(%arg0: i32) -> (i32, i32) {
    %c0_i32 = arith.constant 0 : i32
    %c0_i32_0 = arith.constant 0 : i32
    %c0_i32_1 = arith.constant 0 : i32
    return %c0_i32, %c0_i32_0 : i32, i32
  }
  func.func @transform_4(%arg0: i32) -> (i32, i32) {
    %c0_i32 = arith.constant 0 : i32
    %c0_i32_0 = arith.constant 0 : i32
    %c0_i32_1 = arith.constant 0 : i32
    return %c0_i32, %c0_i32_0 : i32, i32
  }
  func.func @transform_5(%arg0: i32) -> (i32, i32) {
    %c0_i32 = arith.constant 0 : i32
    %c0_i32_0 = arith.constant 0 : i32
    %c0_i32_1 = arith.constant 0 : i32
    return %c0_i32, %c0_i32_0 : i32, i32
  }
  func.func @transform_7(%arg0: i32) -> (i32, i32) {
    %add3A = arith.constant 48 : i32
    %add3A_0 = arith.addi %arg0, %add3A : i32
    %c0_i32 = arith.constant 0 : i32
    %c0_i32_1 = arith.constant 0 : i32
    return %add3A_0, %c0_i32 : i32, i32
  }
}

module attributes {stable_mosaic.version = 14 : i64} {
  func.func @_mlp_body_acc(%arg0: i32, %arg1: memref<1600x128xi32, #tpu.memory_space<vmem>>, %arg2: memref<1600x128xi32, #tpu.memory_space<vmem>>, %arg3: memref<512x1024xbf16, #tpu.memory_space<vmem>>, %arg4: memref<1x1024xf32, #tpu.memory_space<vmem>>, %arg5: memref<1024x512xbf16, #tpu.memory_space<vmem>>, %arg6: memref<1x512xf32, #tpu.memory_space<vmem>>, %arg7: memref<160000x512xf32, #tpu.memory_space<any>>, %arg8: memref<1600x512xf32, #tpu.memory_space<vmem>>) attributes {dimension_semantics = [#tpu.dimension_semantics<arbitrary>], iteration_bounds = array<i64: 24>, scalar_prefetch = 0 : i64, scratch_operands = 0 : i64, tpu.core_type = #tpu.core_type<tc>, window_params = [{transform_indices = @transform_0, window_bounds = array<i64: 1600, 128>}, {transform_indices = @transform_1, window_bounds = array<i64: 1600, 128>}, {pipeline_mode = #tpu.pipeline_mode<synchronous>, transform_indices = @transform_2, window_bounds = array<i64: 512, 1024>}, {pipeline_mode = #tpu.pipeline_mode<synchronous>, transform_indices = @transform_3, window_bounds = array<i64: 1, 1024>}, {pipeline_mode = #tpu.pipeline_mode<synchronous>, transform_indices = @transform_4, window_bounds = array<i64: 1024, 512>}, {pipeline_mode = #tpu.pipeline_mode<synchronous>, transform_indices = @transform_5, window_bounds = array<i64: 1, 512>}, {}, {transform_indices = @transform_7, window_bounds = array<i64: 1600, 512>}]} {
    %get3A = arith.constant 0 : index
    %get3A_0 = arith.constant 0 : index
    %get3A_1 = vector.load %arg1[%get3A, %get3A_0] : memref<1600x128xi32, #tpu.memory_space<vmem>>, vector<1600x128xi32>
    %shift_left3A = arith.constant 16 : i32
    %shift_left3A_2 = vector.broadcast %shift_left3A : i32 to vector<1600x128xi32>
    %shift_left3A_3 = arith.shli %get3A_1, %shift_left3A_2 : vector<1600x128xi32>
    %bitcast_convert_type3A = tpu.bitcast %shift_left3A_3 : vector<1600x128xi32> -> vector<1600x128xf32>
    %and3A = arith.constant -65536 : i32
    %and3A_4 = vector.broadcast %and3A : i32 to vector<1600x128xi32>
    %and3A_5 = arith.andi %get3A_1, %and3A_4 : vector<1600x128xi32>
    %bitcast_convert_type3A_6 = tpu.bitcast %and3A_5 : vector<1600x128xi32> -> vector<1600x128xf32>
    %convert_element_type3A = arith.truncf %bitcast_convert_type3A : vector<1600x128xf32> to vector<1600x128xbf16>
    %convert_element_type3A_7 = arith.truncf %bitcast_convert_type3A_6 : vector<1600x128xf32> to vector<1600x128xbf16>
    %get3A_8 = arith.constant 0 : index
    %get3A_9 = arith.constant 0 : index
    %get3A_10 = vector.load %arg2[%get3A_8, %get3A_9] : memref<1600x128xi32, #tpu.memory_space<vmem>>, vector<1600x128xi32>
    %shift_left3A_11 = arith.constant 16 : i32
    %shift_left3A_12 = vector.broadcast %shift_left3A_11 : i32 to vector<1600x128xi32>
    %shift_left3A_13 = arith.shli %get3A_10, %shift_left3A_12 : vector<1600x128xi32>
    %bitcast_convert_type3A_14 = tpu.bitcast %shift_left3A_13 : vector<1600x128xi32> -> vector<1600x128xf32>
    %and3A_15 = arith.constant -65536 : i32
    %and3A_16 = vector.broadcast %and3A_15 : i32 to vector<1600x128xi32>
    %and3A_17 = arith.andi %get3A_10, %and3A_16 : vector<1600x128xi32>
    %bitcast_convert_type3A_18 = tpu.bitcast %and3A_17 : vector<1600x128xi32> -> vector<1600x128xf32>
    %convert_element_type3A_19 = arith.truncf %bitcast_convert_type3A_14 : vector<1600x128xf32> to vector<1600x128xbf16>
    %convert_element_type3A_20 = arith.truncf %bitcast_convert_type3A_18 : vector<1600x128xf32> to vector<1600x128xbf16>
    %concatenate3A = tpu.concatenate %convert_element_type3A, %convert_element_type3A_7, %convert_element_type3A_19, %convert_element_type3A_20 in 1 : vector<1600x128xbf16>, vector<1600x128xbf16>, vector<1600x128xbf16>, vector<1600x128xbf16> -> vector<1600x512xbf16>
    %get3A_21 = arith.constant 0 : index
    %get3A_22 = arith.constant 0 : index
    %get3A_23 = vector.load %arg3[%get3A_21, %get3A_22] : memref<512x1024xbf16, #tpu.memory_space<vmem>>, vector<512x1024xbf16>
    %dot_general3A = arith.constant dense<0.000000e+00> : vector<1600x1024xf32>
    %dot_general3A_24 = tpu.matmul %concatenate3A, %get3A_23, %dot_general3A {dimension_numbers = #tpu.dot_dimension_numbers<[1], [0], [0], [1], [0, 0, 1, 1], [], []>, transpose_lhs_hint = false} : vector<1600x512xbf16>, vector<512x1024xbf16>, vector<1600x1024xf32> -> vector<1600x1024xf32>
    %get3A_25 = arith.constant 0 : index
    %get3A_26 = arith.constant 0 : index
    %get3A_27 = vector.load %arg4[%get3A_25, %get3A_26] : memref<1x1024xf32, #tpu.memory_space<vmem>>, vector<1x1024xf32>
    %add3A = vector.broadcast %get3A_27 : vector<1x1024xf32> to vector<1600x1024xf32>
    %add3A_28 = arith.addf %dot_general3A_24, %add3A : vector<1600x1024xf32>
    %max3A = arith.constant 0.000000e+00 : f32
    %max3A_29 = vector.broadcast %max3A : f32 to vector<1600x1024xf32>
    %max3A_30 = arith.maximumf %add3A_28, %max3A_29 : vector<1600x1024xf32>
    %convert_element_type3A_31 = arith.truncf %max3A_30 : vector<1600x1024xf32> to vector<1600x1024xbf16>
    %get3A_32 = arith.constant 0 : index
    %get3A_33 = arith.constant 0 : index
    %get3A_34 = vector.load %arg5[%get3A_32, %get3A_33] : memref<1024x512xbf16, #tpu.memory_space<vmem>>, vector<1024x512xbf16>
    %dot_general3A_35 = arith.constant dense<0.000000e+00> : vector<1600x512xf32>
    %dot_general3A_36 = tpu.matmul %convert_element_type3A_31, %get3A_34, %dot_general3A_35 {dimension_numbers = #tpu.dot_dimension_numbers<[1], [0], [0], [1], [0, 0, 1, 1], [], []>, transpose_lhs_hint = false} : vector<1600x1024xbf16>, vector<1024x512xbf16>, vector<1600x512xf32> -> vector<1600x512xf32>
    %get3A_37 = arith.constant 0 : index
    %get3A_38 = arith.constant 0 : index
    %get3A_39 = vector.load %arg6[%get3A_37, %get3A_38] : memref<1x512xf32, #tpu.memory_space<vmem>>, vector<1x512xf32>
    %add3A_40 = vector.broadcast %get3A_39 : vector<1x512xf32> to vector<1600x512xf32>
    %add3A_41 = arith.addf %dot_general3A_36, %add3A_40 : vector<1600x512xf32>
    %max3A_42 = arith.constant 0.000000e+00 : f32
    %max3A_43 = vector.broadcast %max3A_42 : f32 to vector<1600x512xf32>
    %max3A_44 = arith.maximumf %add3A_41, %max3A_43 : vector<1600x512xf32>
    %swap3A = arith.constant 0 : index
    %swap3A_45 = arith.constant 0 : index
    %swap3A_46 = vector.load %arg8[%swap3A, %swap3A_45] : memref<1600x512xf32, #tpu.memory_space<vmem>>, vector<1600x512xf32>
    tpu.vector_store %arg8[%swap3A, %swap3A_45], %max3A_44 {strides = array<i32>} : memref<1600x512xf32, #tpu.memory_space<vmem>>, vector<1600x512xf32>,
    return
  }
  func.func @transform_0(%arg0: i32) -> (i32, i32) {
    %c0_i32 = arith.constant 0 : i32
    %c0_i32_0 = arith.constant 0 : i32
    return %arg0, %c0_i32 : i32, i32
  }
  func.func @transform_1(%arg0: i32) -> (i32, i32) {
    %add3A = arith.constant 24 : i32
    %add3A_0 = arith.addi %arg0, %add3A : i32
    %c0_i32 = arith.constant 0 : i32
    %c0_i32_1 = arith.constant 0 : i32
    return %add3A_0, %c0_i32 : i32, i32
  }
  func.func @transform_2(%arg0: i32) -> (i32, i32) {
    %c0_i32 = arith.constant 0 : i32
    %c0_i32_0 = arith.constant 0 : i32
    %c0_i32_1 = arith.constant 0 : i32
    return %c0_i32, %c0_i32_0 : i32, i32
  }
  func.func @transform_3(%arg0: i32) -> (i32, i32) {
    %c0_i32 = arith.constant 0 : i32
    %c0_i32_0 = arith.constant 0 : i32
    %c0_i32_1 = arith.constant 0 : i32
    return %c0_i32, %c0_i32_0 : i32, i32
  }
  func.func @transform_4(%arg0: i32) -> (i32, i32) {
    %c0_i32 = arith.constant 0 : i32
    %c0_i32_0 = arith.constant 0 : i32
    %c0_i32_1 = arith.constant 0 : i32
    return %c0_i32, %c0_i32_0 : i32, i32
  }
  func.func @transform_5(%arg0: i32) -> (i32, i32) {
    %c0_i32 = arith.constant 0 : i32
    %c0_i32_0 = arith.constant 0 : i32
    %c0_i32_1 = arith.constant 0 : i32
    return %c0_i32, %c0_i32_0 : i32, i32
  }
  func.func @transform_7(%arg0: i32) -> (i32, i32) {
    %add3A = arith.constant 76 : i32
    %add3A_0 = arith.addi %arg0, %add3A : i32
    %c0_i32 = arith.constant 0 : i32
    %c0_i32_1 = arith.constant 0 : i32
    return %add3A_0, %c0_i32 : i32, i32
  }
}

</mosaic_0001>

<sc_bundles>
// kernel: kernel.13.cloned.1.call-start
scs
__scs_entry_jumppad:
0x0: {  	(pc) =	sbr.rel $0x88, $3  }
0x1: {  	(tag) =	ssettag $0x0;
	lr =	simm.s32 $0x1  }
0x2: {  	[smem:$0x3F9B] =	sst lr;
	_ =	strace $0xD0000000  }
0x3: {  	_ = 	snop  }
0x4: {  	_ = 	snop  }
0x5: {  	_ = 	snop  }
0x6: {  	_ = 	snop  }
0x7: {  	_ = 	snop  }
__scs_overlays_trampoline_lowered:
0x8: {  	[smem:$0x3FAA] =	sst s0  }
0x9: {  	[smem:$0x3FAB] =	sst s1  }
0xa: {  	[smem:$0x3FAC] =	sst s2  }
0xb: {  	[smem:$0x3FAD] =	sst s3  }
0xc: {  	[smem:$0x3FAE] =	sst s4  }
0xd: {  	[smem:$0x3FAF] =	sst s5  }
0xe: {  	[smem:$0x3FB0] =	sst s6  }
0xf: {  	[smem:$0x3FB1] =	sst s7  }
0x10: {  	[smem:$0x3FB2] =	sst s8  }
0x11: {  	[smem:$0x3FB3] =	sst s9;
	s0 =	simm.s32 @!p0 $0x0  }
0x12: {  	s1 =	sld [smem:$0x3F99];
	s0 =	simm.s32 @p0 $0x1  }
0x13: {  	[smem:$0x3FB4] =	sst s0;
	s0 =	simm.s32 @!p1 $0x0  }
0x14: {  	s2 =	sld [smem:$0x3F98];
	s0 =	simm.s32 @p1 $0x1  }
0x15: {  	[smem:$0x3FB5] =	sst s0;
	s0 =	simm.s32 @!p2 $0x0  }
0x16: {  	s3 =	sld [smem:$0x3FDB];
	s0 =	simm.s32 @p2 $0x1  }
0x17: {  	s4 =	simm.s32 $0x1BF5;
	[smem:$0x3FB7] =	sst s0  }
0x18: {  	s0 =	sld [smem:$0x3F9A];
	_ =	swait.ge [sflag:s4], $0x0  }
0x19: {  	s7 =	sld [smem:$0x3F9B]  }
0x1a: {  	s8 =	sadd.s32 $0xFFFFE003, lr  }
0x1b: {  	s9 =	sadd.s32 $0xFFFFFEF7, lr;
	s5 =	simm.s32 $0xFFFFFFFF;
	p2 =	slt.u32 s8, $0xFFFFF086  }
0x1c: {  	p1 =	slt.u32 s9, $0xF7A;
	s5 =	simm.s32 @!p2 $0x0  }
0x1d: {  	s5 =	simm.s32 @p1 $0x1;
	p0 =	seq.s32 s7, s2  }
0x1e: {  	s7 =	smul.u32 @!p0 $0xF7A, s2;
	p2 =	seq.s32 @!p0 s5, $0x0  }
0x1f: {  	s9 =	smul.u32 $0xF7A, s1;
	s8 =	simm.s32 @!p0 $0x1BF5;
	p2 =	por !p2, p0  }
0x20: {  	[sflag:s8] =	ssyncset.s32 @!p0 $0xFFFFF086;
	s6 =	sadd.s32 @!p0 s3, s7;
	s7 =	simm.s32 @!p0 $0x108  }
0x21: {  	s3 =	sadd.s32 s3, s9;
	s6 =	sadd.s32 @!p0 $0x88, s6;
	s7 =	simm.s32 @p2 $0x1082  }
0x22: {  	[simem:s7], [sflag:s8] =	dma.local @!p0 [hbm:s6], $0xF7A  }
0x23: {  	s9 =	sor.u32 $0xD0000000, s2;
	s6 =	simm.s32 $0x108;
	_ =	swait.ge @!p0 [sflag:s8], $0x0  }
0x24: {  	s3 =	sadd.s32 $0x88, s3;
	s6 =	simm.s32 @!p1 $0x1082;
	[sflag:s4] =	ssyncset.s32 $0xFFFFF086  }
0x25: {  	[simem:s6], [sflag:s4] =	dma.local [hbm:s3], $0xF7A  }
0x26: {  	[smem:$0x3F9B] =	sst s1;
	(tag) =	ssettag s2;
	_ =	strace s9  }
0x27: {  	s1 =	sld [smem:$0x3FAB]  }
0x28: {  	s2 =	sld [smem:$0x3FAC]  }
0x29: {  	s4 =	sld [smem:$0x3FAE]  }
0x2a: {  	p0 =	seq.s32 s5, $0x0;
	s5 =	sld [smem:$0x3FAF]  }
0x2b: {  	s6 =	sld [smem:$0x3FB0]  }
0x2c: {  	s7 =	sld [smem:$0x3FB1]  }
0x2d: {  	s3 =	simm.s32 $0x108;
	s8 =	sld [smem:$0x3FB2]  }
0x2e: {  	s3 =	simm.s32 @!p0 $0x1082;
	s9 =	sld [smem:$0x3FB3]  }
0x2f: {  	lr =	sadd.s32 s0, s3;
	s0 =	sld [smem:$0x3FAA]  }
0x30: {  	s3 =	sld [smem:$0x3FAD]  }
0x31: {  	[smem:$0x3FB6] =	sst s10  }
0x32: {  	s10 =	sld [smem:$0x3FB4];
	_ =	sdelay $0x3  }
0x33: {  	p0 =	seq.s32 s10, $0x1;
	s10 =	sld [smem:$0x3FB6];
	_ =	sdelay $0x3  }
0x34: {  	[smem:$0x3FB6] =	sst s10  }
0x35: {  	s10 =	sld [smem:$0x3FB5];
	_ =	sdelay $0x3  }
0x36: {  	p1 =	seq.s32 s10, $0x1;
	s10 =	sld [smem:$0x3FB6];
	_ =	sdelay $0x3  }
0x37: {  	[smem:$0x3FB6] =	sst s10  }
0x38: {  	s10 =	sld [smem:$0x3FB7]  }
0x39: {  	_ = 	snop;
	(pc) =	sbr.ind lr, $3  }
0x3a: {  	_ = 	snop  }
0x3b: {  	_ = 	snop  }
0x3c: {  	p2 =	seq.s32 s10, $0x1;
	s10 =	sld [smem:$0x3FB6]  }
0x3d: {  	_ =	shalt  }
0x3e: {  	_ =	shalt  }
0x3f: {  	_ =	shalt  }
0x40: {  	_ =	shalt  }
0x41: {  	_ =	shalt  }
0x42: {  	_ =	shalt  }
0x43: {  	_ =	shalt  }
0x44: {  	_ =	shalt  }
0x45: {  	_ =	shalt  }
0x46: {  	_ =	shalt  }
0x47: {  	_ =	shalt  }
0x48: {  	_ =	shalt  }
0x49: {  	_ =	shalt  }
0x4a: {  	_ =	shalt  }
0x4b: {  	_ =	shalt  }
0x4c: {  	_ =	shalt  }
0x4d: {  	_ =	shalt  }
0x4e: {  	_ =	shalt  }
0x4f: {  	_ =	shalt  }
0x50: {  	_ =	shalt  }
0x51: {  	_ =	shalt  }
0x52: {  	_ =	shalt  }
0x53: {  	_ =	shalt  }
0x54: {  	_ =	shalt  }
0x55: {  	_ =	shalt  }
0x56: {  	_ =	shalt  }
0x57: {  	_ =	shalt  }
0x58: {  	_ =	shalt  }
0x59: {  	_ =	shalt  }
0x5a: {  	_ =	shalt  }
0x5b: {  	_ =	shalt  }
0x5c: {  	_ =	shalt  }
0x5d: {  	_ =	shalt  }
0x5e: {  	_ =	shalt  }
0x5f: {  	_ =	shalt  }
0x60: {  	_ =	shalt  }
0x61: {  	_ =	shalt  }
0x62: {  	_ =	shalt  }
0x63: {  	_ =	shalt  }
0x64: {  	_ =	shalt  }
0x65: {  	_ =	shalt  }
0x66: {  	_ =	shalt  }
0x67: {  	_ =	shalt  }
0x68: {  	_ =	shalt  }
0x69: {  	_ =	shalt  }
0x6a: {  	_ =	shalt  }
0x6b: {  	_ =	shalt  }
0x6c: {  	_ =	shalt  }
0x6d: {  	_ =	shalt  }
0x6e: {  	_ =	shalt  }
0x6f: {  	_ =	shalt  }
0x70: {  	_ =	shalt  }
0x71: {  	_ =	shalt  }
0x72: {  	_ =	shalt  }
0x73: {  	_ =	shalt  }
0x74: {  	_ =	shalt  }
0x75: {  	_ =	shalt  }
0x76: {  	_ =	shalt  }
0x77: {  	_ =	shalt  }
0x78: {  	_ =	shalt  }
0x79: {  	_ =	shalt  }
0x7a: {  	_ =	shalt  }
0x7b: {  	_ =	shalt  }
0x7c: {  	_ =	shalt  }
0x7d: {  	_ =	shalt  }
0x7e: {  	_ =	shalt  }
0x7f: {  	_ =	shalt  }
0x80: {  	_ =	shalt  }
0x81: {  	_ =	shalt  }
0x82: {  	_ =	shalt  }
0x83: {  	_ =	shalt  }
0x84: {  	_ =	shalt  }
0x85: {  	_ =	shalt  }
0x86: {  	_ =	shalt  }
0x87: {  	_ =	shalt  }
.Lfunc_end0:
.L_simem_size_0:
called_computation_lowered:
.L_overlay_start_0:
0x88: {  	s2 =	sld [smem:$0x3FD9]  }
0x89: {  	s3 =	sld [smem:$0x3FFE];
	_ =	sdelay $0x1  }
0x8a: {  	s1 =	srdreg.scid  }
0x8b: {  	s0 =	sand.u32 $0x1, s1  }
0x8c: {  	s17 =	sshll.u32 s0, $0xA;
	s2 =	sadd.s32 s3, s2  }
0x8d: {  	s2 =	sadd.s32 s2, s17  }
0x8e: {  	[smem:$0x3FC2] =	sst s2  }
0x8f: {  	_ = 	snop  }
0x90: {  	s2 =	sld [smem:$0x3FD0];
	(tm) =	ssettm $0x1  }
0x91: {  	s18 =	sld [smem:$0x3FFB];
	_ =	sdelay $0x3  }
0x92: {  	_ =	strace s18  }
0x93: {  	s3 =	sld [smem:$0x3FFC];
	_ =	sdelay $0x3  }
0x94: {  	_ =	strace s3  }
0x95: {  	s3 =	sld [smem:$0x3FFD];
	_ =	sdelay $0x3  }
0x96: {  	_ =	strace s3  }
0x97: {  	_ =	strace $0x8FFFFFFF  }
0x98: {  	s19 =	sld [smem:$0x3FDB];
	_ =	sdelay $0x1  }
0x99: {  	s4 =	simm.s32 $_scs_section_size  }
0x9a: {  	s5 =	simm.s32 $_size__tile_overlayer_lowered;
	s6 =	simm.s32 $_tile_overlayer_lowered  }
0x9b: {  	s22 =	simm.s32 $0x1BFF;
	s21 =	sshll.u32 s6, $0x1;
	s3 =	sadd.s32 s4, s19  }
0x9c: {  	s7 =	simm.s32 $0x0;
	s20 =	sshll.u32 s5, $0x1;
	s5 =	sadd.s32 s21, s3  }
0x9d: {  	[timem:s7], [sflag:s22] =	dma.local [hbm:s5], s20  }
0x9e: {  	_ =	swait.ge [sflag:s22], s20  }
0x9f: {  	s4 =	ssub.s32 $0x0, s20;
	[sflag:s22] =	ssyncset.done $0x0  }
0xa0: {  	[sflag:s22] =	ssyncadd.s32 s4;
	_ =	sdelay $0x1  }
0xa1: {  	s23 =	simm.s32 $0x1B8B  }
0xa2: {  	_ =	swait.ge [sflag:s23], $0x1  }
0xa3: {  	[sflag:s23] =	ssyncset.done $0x0  }
0xa4: {  	s25 =	simm.s32 $0x1B8E;
	s24 =	sld [smem:$0x3FFE];
	[sflag:s23] =	ssyncadd.s32 $0xFFFFFFFF  }
0xa5: {  	s26 =	simm.s32 $execute0_lowered;
	[smem:$0x3FD2] =	sst s25  }
0xa6: {  	s5 =	sshll.u32 s26, $0x1;
	_ =	strace $0x80000046;
	[dreg:$0x1] =	wrdreg $0xFFFFFFFF  }
0xa7: {  	s28 =	simm.s32 $_size_execute0_lowered;
	s3 =	sadd.s32 s3, s5;
	[dreg:$0x0] =	wrdreg $0x0  }
0xa8: {  	s5 =	sshll.u32 s28, $0x1;
	[dreg:$0x2] =	wrdreg s3  }
0xa9: {  	[dreg:$0x3] =	wrdreg s5  }
0xaa: {  	[dreg:$0x4] =	wrdreg $0xC0  }
0xab: {  	_ =	task [dreg:s7], $0x5FFFF  }
0xac: {  	[dreg:$0x1] =	wrdreg $0xFFFFFFFF  }
0xad: {  	[dreg:$0x0] =	wrdreg $0x60  }
0xae: {  	[dreg:$0x2] =	wrdreg s24  }
0xaf: {  	[dreg:$0x3] =	wrdreg s2  }
0xb0: {  	[dreg:$0x4] =	wrdreg $0x67800  }
0xb1: {  	[dreg:$0x5] =	wrdreg $0x9  }
0xb2: {  	_ =	task.clear_ibuf [dreg:s7], $0x6FFFF;
	_ =	strace $0x90000046  }
0xb3: {  	s29 =	simm.s32 $0x9;
	_ =	strace $0x80000048  }
0xb4: {  	_ =	swait.ge [sflag:s29], $0x1  }
0xb5: {  	[sflag:s29] =	ssyncadd.s32 $0xFFFFFFFF  }
0xb6: {  	_ =	strace $0x90000048  }
0xb7: {  	_ =	sfence  }
0xb8: {  	s30 =	sld [smem:$0x0];
	_ =	sdelay $0x2  }
0xb9: {  	s31 =	sshll.u32 s1, $0xD;
	s1 =	sshrl.u32 s1, $0x2  }
0xba: {  	s3 =	sand.u32 $0x4000, s31;
	s1 =	sadd.s32 s1, s30  }
0xbb: {  	s0 =	sor.u32 s3, s0;
	s1 =	sshll.u32 s1, $0x11  }
0xbc: {  	s0 =	sor.u32 s1, s0  }
0xbd: {  	s0 =	sadd.s32 $0x8F2B, s0  }
0xbe: {  	[sflag:s0] =	ssyncadd.remote.s32 $0x1  }
0xbf: {  	_ =	sfence.sel $0xFFFF  }
0xc0: {  	[dreg:$0x0] =	wrdreg $0xFFFFFFFF;
	(pc) =	sbr.abs _section_cstart, $3  }
0xc1: {  	[dreg:$0x1] =	wrdreg $0xFFFFFFFF  }
0xc2: {  	_ =	task.clear_ibuf [dreg:s7], $0x2FFFF;
	_ =	strace $0x9FFFFFFF  }
0xc3: {  	(tm) =	ssettm $0x7FFFFFFF  }
tec
execute0_lowered:
.L_overlay_start_1:
0x0: {  	(tag) =	ssettag $0x1  }
0x1: {  	s4 =	rddreg [dreg:$0x0]  }
0x2: {  	s0 =	srdreg.scid;
	s6 =	rddreg [dreg:$0x1]  }
0x3: {  	s3 =	stileid.u32;
	s1 =	rddreg [dreg:$0x2];
	s2 =	simm.s32 $0x0  }
0x4: {  	s12 =	simm.s32 $0x190;
	s5 =	sand.u32 $0x1, s0;
	s29 =	sshll.u32 s3, $0x1  }
0x5: {  	s10 =	simm.s32 $0x258;
	s7 =	sor.u32 s5, s29;
	s5 =	ssub.s32 $0x2, s5  }
0x6: {  	p1 =	por $0x0, $0x0;
	s0 =	rddreg [dreg:$0x3];
	s31 =	sshrl.u32 s5, $0x1  }
0x7: {  	s30 =	sshrl.u32 s3, $0x3;
	[smem:$0x7FF] =	sst s2;
	s5 =	ssub.s32 s5, s31  }
0x8: {  	s13 =	sadd.s32 $0x2200, s4;
	s9 =	smul.u32 $0x27100, s30;
	s5 =	smax.u32 s5, $0x1  }
0x9: {  	s8 =	sand.u32 $0xF, s7;
	s7 =	smul.u32 $0x3200, s7;
	s18 =	sadd.s32 $0xFFFFFFFF, s5  }
0xa: {  	p0 =	sne.s32 s3, $0x0;
	s8 =	smul.u32 $0x320, s8;
	p2 =	sne.s32 s18, $0x0  }
.Ltmp0:
0xb: {  	s3 =	simm.s32 $0x2;
	_ =	strace $0x80000047;
	(pc) =	sbr.rel @!p2 .LBB2_3-.Ltmp0, $4  }
0xc: {  	s15 =	sshrl.u32 @!p0 s1, $0x3;
	s11 =	sadd.s32 s6, s7;
	s8 =	sadd.s32 s9, s8  }
0xd: {  	s7 =	simm.s32 $0xC8;
	s9 =	sadd.s32 $0xC80, s11;
	s8 =	sshrl.u32 s8, $0x3  }
0xe: {  	s6 =	sadd.s32 $0x1900, s11;
	s5 =	simm.s32 $0x380;
	s4 =	sadd.s32 s8, s4  }
0xf: {  	s8 =	simm.s32 $0x1;
	s14 =	sadd.s32 $0x29400, s4;
	s4 =	sadd.s32 $0x2580, s11  }
0x10: {  	s16 =	simm.s32 @!p0 $0x1C02;
	s17 =	simm.s32 @!p0 $0x2  }
0x11: {  	[spmem:s15], [sflag:s16] =	dma.local @!p0 [hbm:s13], $0x27100  }
0x12: {  	_ =	swait.ge @!p0 [sflag:s17], $0x27100  }
0x13: {  	[sflag:s17] =	ssyncset.done @!p0 $0x0  }
0x14: {  	[sflag:s17] =	ssyncadd.s32 @!p0 $0xFFFD8F00  }
0x15: {  	[tilespmem:s2], [sflag:$0x2] =	stream.linear.gather [hbm4b:s14+s2], $0x320, $0x38;
	[tilespmem:$0x1A000] =	vst v63  }
0x16: {  	_ =	swait.ge [sflag:s3], $0x320  }
0x17: {  	[sflag:s3] =	ssyncset.done $0x0  }
0x18: {  	[sflag:s3] =	ssyncadd.s32 $0xFFFFFCE0  }
0x19: {  	[bflag:$0x0] =	sbarrier.arrive $0xFFFF  }
0x1a: {  	[tilespmem:s5], [sflag:$0x1] =	stream.indirect.gather [spmem:s1], $0x80, s2, s7, $0xb8;
	[tilespmem:$0x1A000] =	vst v63  }
0x1b: {  	_ =	swait.ge [sflag:s8], $0x6400  }
0x1c: {  	[sflag:s8] =	ssyncset.done $0x0  }
0x1d: {  	[sflag:s8] =	ssyncadd.s32 $0xFFFF9C00  }
0x1e: {  	[hbm4b:s11+s2] =	stream.linear.scatter [tilespmem:s5], [sflag:$0x2], $0x6400, $0x38;
	[tilespmem:$0x1A000] =	vst v63  }
0x1f: {  	_ =	swait.ge [sflag:s3], $0x6400  }
0x20: {  	[sflag:s3] =	ssyncset.done $0x0  }
0x21: {  	[sflag:s3] =	ssyncadd.s32 $0xFFFF9C00  }
0x22: {  	[tilespmem:s5], [sflag:$0x1] =	stream.indirect.gather [spmem:s1], $0x80, s7, s7, $0xb8;
	[tilespmem:$0x1A000] =	vst v63  }
0x23: {  	_ =	swait.ge [sflag:s8], $0x6400  }
0x24: {  	[sflag:s8] =	ssyncset.done $0x0  }
0x25: {  	[sflag:s8] =	ssyncadd.s32 $0xFFFF9C00  }
0x26: {  	[hbm4b:s9+s2] =	stream.linear.scatter [tilespmem:s5], [sflag:$0x2], $0x6400, $0x38;
	[tilespmem:$0x1A000] =	vst v63  }
0x27: {  	_ =	swait.ge [sflag:s3], $0x6400  }
0x28: {  	[sflag:s3] =	ssyncset.done $0x0  }
0x29: {  	[sflag:s3] =	ssyncadd.s32 $0xFFFF9C00  }
0x2a: {  	[tilespmem:s5], [sflag:$0x1] =	stream.indirect.gather [spmem:s1], $0x80, s12, s7, $0xb8;
	[tilespmem:$0x1A000] =	vst v63  }
0x2b: {  	_ =	swait.ge [sflag:s8], $0x6400  }
0x2c: {  	[sflag:s8] =	ssyncset.done $0x0  }
0x2d: {  	[sflag:s8] =	ssyncadd.s32 $0xFFFF9C00  }
0x2e: {  	[hbm4b:s6+s2] =	stream.linear.scatter [tilespmem:s5], [sflag:$0x2], $0x6400, $0x38;
	[tilespmem:$0x1A000] =	vst v63  }
0x2f: {  	_ =	swait.ge [sflag:s3], $0x6400  }
0x30: {  	[sflag:s3] =	ssyncset.done $0x0  }
0x31: {  	s18 =	sadd.s32 $0xFFFFFFFF, s18;
	[sflag:s3] =	ssyncadd.s32 $0xFFFF9C00  }
0x32: {  	[tilespmem:s5], [sflag:$0x1] =	stream.indirect.gather [spmem:s1], $0x80, s10, s7, $0xb8;
	[tilespmem:$0x1A000] =	vst v63  }
0x33: {  	p2 =	sne.s32 s18, $0x0;
	_ =	swait.ge [sflag:s8], $0x6400  }
.Ltmp1:
0x34: {  	[sflag:s8] =	ssyncset.done $0x0;
	(pc) =	sbr.rel @!p2 .LBB2_3-.Ltmp1, $4  }
0x35: {  	[sflag:s8] =	ssyncadd.s32 $0xFFFF9C00  }
0x36: {  	[hbm4b:s4+s2] =	stream.linear.scatter [tilespmem:s5], [sflag:$0x2], $0x6400, $0x38;
	[tilespmem:$0x1A000] =	vst v63  }
0x37: {  	_ =	swait.ge [sflag:s3], $0x6400  }
0x38: {  	p1 =	por $0x1, $0x1;
	[sflag:s3] =	ssyncset.done $0x0  }
.LBB2_2:
0x39: {  	[sflag:s3] =	ssyncadd.s32 $0xFFFF9C00  }
0x3a: {  	[spmem:s15], [sflag:s16] =	dma.local @!p0 [hbm:s13], $0x27100  }
0x3b: {  	s18 =	sadd.s32 $0xFFFFFFFF, s18;
	_ =	swait.ge @!p0 [sflag:s17], $0x27100  }
0x3c: {  	p2 =	sne.s32 s18, $0x0;
	[sflag:s17] =	ssyncset.done @!p0 $0x0  }
0x3d: {  	[sflag:s17] =	ssyncadd.s32 @!p0 $0xFFFD8F00  }
0x3e: {  	[tilespmem:s2], [sflag:$0x2] =	stream.linear.gather [hbm4b:s14+s2], $0x320, $0x38;
	[tilespmem:$0x1A000] =	vst v63  }
0x3f: {  	_ =	swait.ge [sflag:s3], $0x320  }
0x40: {  	[sflag:s3] =	ssyncset.done $0x0  }
0x41: {  	[sflag:s3] =	ssyncadd.s32 $0xFFFFFCE0  }
0x42: {  	[bflag:$0x0] =	sbarrier.arrive $0xFFFF  }
0x43: {  	[tilespmem:s5], [sflag:$0x1] =	stream.indirect.gather [spmem:s1], $0x80, s2, s7, $0xb8;
	[tilespmem:$0x1A000] =	vst v63  }
0x44: {  	_ =	swait.ge [sflag:s8], $0x6400  }
0x45: {  	[sflag:s8] =	ssyncset.done $0x0  }
0x46: {  	[sflag:s8] =	ssyncadd.s32 $0xFFFF9C00  }
0x47: {  	[hbm4b:s11+s2] =	stream.linear.scatter [tilespmem:s5], [sflag:$0x2], $0x6400, $0x38;
	[tilespmem:$0x1A000] =	vst v63  }
0x48: {  	_ =	swait.ge [sflag:s3], $0x6400  }
0x49: {  	[sflag:s3] =	ssyncset.done $0x0  }
0x4a: {  	[sflag:s3] =	ssyncadd.s32 $0xFFFF9C00  }
0x4b: {  	[tilespmem:s5], [sflag:$0x1] =	stream.indirect.gather [spmem:s1], $0x80, s7, s7, $0xb8;
	[tilespmem:$0x1A000] =	vst v63  }
0x4c: {  	_ =	swait.ge [sflag:s8], $0x6400  }
0x4d: {  	[sflag:s8] =	ssyncset.done $0x0  }
0x4e: {  	[sflag:s8] =	ssyncadd.s32 $0xFFFF9C00  }
0x4f: {  	[hbm4b:s9+s2] =	stream.linear.scatter [tilespmem:s5], [sflag:$0x2], $0x6400, $0x38;
	[tilespmem:$0x1A000] =	vst v63  }
0x50: {  	_ =	swait.ge [sflag:s3], $0x6400  }
0x51: {  	[sflag:s3] =	ssyncset.done $0x0  }
0x52: {  	[sflag:s3] =	ssyncadd.s32 $0xFFFF9C00  }
0x53: {  	[tilespmem:s5], [sflag:$0x1] =	stream.indirect.gather [spmem:s1], $0x80, s12, s7, $0xb8;
	[tilespmem:$0x1A000] =	vst v63  }
0x54: {  	_ =	swait.ge [sflag:s8], $0x6400  }
0x55: {  	[sflag:s8] =	ssyncset.done $0x0  }
0x56: {  	[sflag:s8] =	ssyncadd.s32 $0xFFFF9C00  }
0x57: {  	[hbm4b:s6+s2] =	stream.linear.scatter [tilespmem:s5], [sflag:$0x2], $0x6400, $0x38;
	[tilespmem:$0x1A000] =	vst v63  }
0x58: {  	_ =	swait.ge [sflag:s3], $0x6400  }
0x59: {  	[sflag:s3] =	ssyncset.done $0x0  }
0x5a: {  	[sflag:s3] =	ssyncadd.s32 $0xFFFF9C00  }
0x5b: {  	[tilespmem:s5], [sflag:$0x1] =	stream.indirect.gather [spmem:s1], $0x80, s10, s7, $0xb8;
	[tilespmem:$0x1A000] =	vst v63  }
0x5c: {  	_ =	swait.ge [sflag:s8], $0x6400  }
.Ltmp2:
0x5d: {  	[sflag:s8] =	ssyncset.done $0x0;
	(pc) =	sbr.rel @p2 .LBB2_2-.Ltmp2, $4  }
0x5e: {  	[sflag:s8] =	ssyncadd.s32 $0xFFFF9C00  }
0x5f: {  	[hbm4b:s4+s2] =	stream.linear.scatter [tilespmem:s5], [sflag:$0x2], $0x6400, $0x38;
	[tilespmem:$0x1A000] =	vst v63  }
0x60: {  	_ =	swait.ge [sflag:s3], $0x6400  }
0x61: {  	[sflag:s3] =	ssyncset.done $0x0  }
.LBB2_3:
0x62: {  	s16 =	simm.s32 @!p0 $0x1C02;
	s17 =	simm.s32 @!p0 $0x2;
	[sflag:s3] =	ssyncadd.s32 @p1 $0xFFFF9C00  }
0x63: {  	[spmem:s15], [sflag:s16] =	dma.local @!p0 [hbm:s13], $0x27100  }
0x64: {  	_ =	swait.ge @!p0 [sflag:s17], $0x27100  }
0x65: {  	[sflag:s17] =	ssyncset.done @!p0 $0x0  }
0x66: {  	[sflag:s17] =	ssyncadd.s32 @!p0 $0xFFFD8F00  }
0x67: {  	[tilespmem:s2], [sflag:$0x2] =	stream.linear.gather [hbm4b:s14+s2], $0x320, $0x38;
	[tilespmem:$0x1A000] =	vst v63  }
0x68: {  	_ =	swait.ge [sflag:s3], $0x320  }
0x69: {  	[sflag:s3] =	ssyncset.done $0x0  }
0x6a: {  	[sflag:s3] =	ssyncadd.s32 $0xFFFFFCE0  }
0x6b: {  	[bflag:$0x0] =	sbarrier.arrive $0xFFFF  }
0x6c: {  	[tilespmem:s5], [sflag:$0x1] =	stream.indirect.gather [spmem:s1], $0x80, s2, s7, $0xb8;
	[tilespmem:$0x1A000] =	vst v63  }
0x6d: {  	_ =	swait.ge [sflag:s8], $0x6400  }
0x6e: {  	[sflag:s8] =	ssyncset.done $0x0  }
0x6f: {  	[sflag:s8] =	ssyncadd.s32 $0xFFFF9C00  }
0x70: {  	[hbm4b:s11+s2] =	stream.linear.scatter [tilespmem:s5], [sflag:$0x2], $0x6400, $0x38;
	[tilespmem:$0x1A000] =	vst v63  }
0x71: {  	_ =	swait.ge [sflag:s3], $0x6400  }
0x72: {  	[sflag:s3] =	ssyncset.done $0x0  }
0x73: {  	[sflag:s3] =	ssyncadd.s32 $0xFFFF9C00  }
0x74: {  	[tilespmem:s5], [sflag:$0x1] =	stream.indirect.gather [spmem:s1], $0x80, s7, s7, $0xb8;
	[tilespmem:$0x1A000] =	vst v63  }
0x75: {  	_ =	swait.ge [sflag:s8], $0x6400  }
0x76: {  	[sflag:s8] =	ssyncset.done $0x0  }
0x77: {  	[sflag:s8] =	ssyncadd.s32 $0xFFFF9C00  }
0x78: {  	[hbm4b:s9+s2] =	stream.linear.scatter [tilespmem:s5], [sflag:$0x2], $0x6400, $0x38;
	[tilespmem:$0x1A000] =	vst v63  }
0x79: {  	_ =	swait.ge [sflag:s3], $0x6400  }
0x7a: {  	[sflag:s3] =	ssyncset.done $0x0  }
0x7b: {  	[sflag:s3] =	ssyncadd.s32 $0xFFFF9C00  }
0x7c: {  	[tilespmem:s5], [sflag:$0x1] =	stream.indirect.gather [spmem:s1], $0x80, s12, s7, $0xb8;
	[tilespmem:$0x1A000] =	vst v63  }
0x7d: {  	_ =	swait.ge [sflag:s8], $0x6400  }
0x7e: {  	[sflag:s8] =	ssyncset.done $0x0  }
0x7f: {  	[sflag:s8] =	ssyncadd.s32 $0xFFFF9C00  }
0x80: {  	[hbm4b:s6+s2] =	stream.linear.scatter [tilespmem:s5], [sflag:$0x2], $0x6400, $0x38;
	[tilespmem:$0x1A000] =	vst v63  }
0x81: {  	_ =	swait.ge [sflag:s3], $0x6400  }
0x82: {  	[sflag:s3] =	ssyncset.done $0x0  }
0x83: {  	[sflag:s3] =	ssyncadd.s32 $0xFFFF9C00  }
0x84: {  	[tilespmem:s5], [sflag:$0x1] =	stream.indirect.gather [spmem:s1], $0x80, s10, s7, $0xb8;
	[tilespmem:$0x1A000] =	vst v63  }
0x85: {  	_ =	swait.ge [sflag:s8], $0x6400  }
0x86: {  	[sflag:s8] =	ssyncset.done $0x0  }
0x87: {  	[sflag:s8] =	ssyncadd.s32 $0xFFFF9C00  }
0x88: {  	[hbm4b:s4+s2] =	stream.linear.scatter [tilespmem:s5], [sflag:$0x2], $0x6400, $0x38;
	[tilespmem:$0x1A000] =	vst v63  }
0x89: {  	_ =	swait.ge [sflag:s3], $0x6400  }
0x8a: {  	[sflag:s3] =	ssyncset.done $0x0  }
0x8b: {  	[sflag:s3] =	ssyncadd.s32 $0xFFFF9C00  }
0x8c: {  	_ =	sfence.sel $0x180000  }
0x8d: {  	[bflag:$0x0] =	sbarrier.arrive $0xFFFF  }
0x8e: {  	_ =	strace $0x90000047  }
0x8f: {  	s0 =	sadd.s32 @!p0 $0x100000, s0;
	[bflag:$0x2] =	sbarrier.arrive $0xFFFF  }
0x90: {  	[sflag:s0] =	ssyncadd.tile.s32 @!p0 $0x1;
	_ =	shalt  }
.Lfunc_end2:
_tile_overlayer_lowered:
.L_overlay_start_2:
0x91: {  	(tag) =	ssettag $0x2  }
0x92: {  	s0 =	rddreg [dreg:$0x0];
	s2 =	stileid.u32  }
0x93: {  	s1 =	rddreg [dreg:$0x1];
	p0 =	sne.s32 s2, $0x0  }
0x94: {  	s3 =	rddreg [dreg:$0x2];
	[bflag:$0x3] =	sbarrier.arrive $0xFFFF;
	s2 =	simm.s32 @!p0 $0x1C02  }
0x95: {  	[timem:s3], [sflag:s2] =	dma.local @!p0 [hbm:s0], s1  }
0x96: {  	s0 =	simm.s32 @!p0 $0x2  }
0x97: {  	_ =	swait.ge @!p0 [sflag:s0], s1  }
0x98: {  	s1 =	ssub.s32 @!p0 $0x0, s1;
	[sflag:s0] =	ssyncset.done @!p0 $0x0  }
0x99: {  	[sflag:s0] =	ssyncadd.s32 @!p0 s1  }
0x9a: {  	[bflag:$0x3] =	sbarrier.arrive $0xFFFF  }
0x9b: {  	_ =	shalt  }

// kernel: kernel.16.cloned.1.call-start
scs
__scs_entry_jumppad:
0x0: {  	(pc) =	sbr.rel $0x88, $3  }
0x1: {  	(tag) =	ssettag $0x0;
	lr =	simm.s32 $0x1  }
0x2: {  	[smem:$0x3F9B] =	sst lr;
	_ =	strace $0xD0000000  }
0x3: {  	_ = 	snop  }
0x4: {  	_ = 	snop  }
0x5: {  	_ = 	snop  }
0x6: {  	_ = 	snop  }
0x7: {  	_ = 	snop  }
__scs_overlays_trampoline_lowered:
0x8: {  	[smem:$0x3FAA] =	sst s0  }
0x9: {  	[smem:$0x3FAB] =	sst s1  }
0xa: {  	[smem:$0x3FAC] =	sst s2  }
0xb: {  	[smem:$0x3FAD] =	sst s3  }
0xc: {  	[smem:$0x3FAE] =	sst s4  }
0xd: {  	[smem:$0x3FAF] =	sst s5  }
0xe: {  	[smem:$0x3FB0] =	sst s6  }
0xf: {  	[smem:$0x3FB1] =	sst s7  }
0x10: {  	[smem:$0x3FB2] =	sst s8  }
0x11: {  	[smem:$0x3FB3] =	sst s9;
	s0 =	simm.s32 @!p0 $0x0  }
0x12: {  	s1 =	sld [smem:$0x3F99];
	s0 =	simm.s32 @p0 $0x1  }
0x13: {  	[smem:$0x3FB4] =	sst s0;
	s0 =	simm.s32 @!p1 $0x0  }
0x14: {  	s2 =	sld [smem:$0x3F98];
	s0 =	simm.s32 @p1 $0x1  }
0x15: {  	[smem:$0x3FB5] =	sst s0;
	s0 =	simm.s32 @!p2 $0x0  }
0x16: {  	s3 =	sld [smem:$0x3FDB];
	s0 =	simm.s32 @p2 $0x1  }
0x17: {  	s4 =	simm.s32 $0x1BF5;
	[smem:$0x3FB7] =	sst s0  }
0x18: {  	s0 =	sld [smem:$0x3F9A];
	_ =	swait.ge [sflag:s4], $0x0  }
0x19: {  	s7 =	sld [smem:$0x3F9B]  }
0x1a: {  	s8 =	sadd.s32 $0xFFFFE003, lr  }
0x1b: {  	s9 =	sadd.s32 $0xFFFFFEF7, lr;
	s5 =	simm.s32 $0xFFFFFFFF;
	p2 =	slt.u32 s8, $0xFFFFF086  }
0x1c: {  	p1 =	slt.u32 s9, $0xF7A;
	s5 =	simm.s32 @!p2 $0x0  }
0x1d: {  	s5 =	simm.s32 @p1 $0x1;
	p0 =	seq.s32 s7, s2  }
0x1e: {  	s7 =	smul.u32 @!p0 $0xF7A, s2;
	p2 =	seq.s32 @!p0 s5, $0x0  }
0x1f: {  	s9 =	smul.u32 $0xF7A, s1;
	s8 =	simm.s32 @!p0 $0x1BF5;
	p2 =	por !p2, p0  }
0x20: {  	[sflag:s8] =	ssyncset.s32 @!p0 $0xFFFFF086;
	s6 =	sadd.s32 @!p0 s3, s7;
	s7 =	simm.s32 @!p0 $0x108  }
0x21: {  	s3 =	sadd.s32 s3, s9;
	s6 =	sadd.s32 @!p0 $0x88, s6;
	s7 =	simm.s32 @p2 $0x1082  }
0x22: {  	[simem:s7], [sflag:s8] =	dma.local @!p0 [hbm:s6], $0xF7A  }
0x23: {  	s9 =	sor.u32 $0xD0000000, s2;
	s6 =	simm.s32 $0x108;
	_ =	swait.ge @!p0 [sflag:s8], $0x0  }
0x24: {  	s3 =	sadd.s32 $0x88, s3;
	s6 =	simm.s32 @!p1 $0x1082;
	[sflag:s4] =	ssyncset.s32 $0xFFFFF086  }
0x25: {  	[simem:s6], [sflag:s4] =	dma.local [hbm:s3], $0xF7A  }
0x26: {  	[smem:$0x3F9B] =	sst s1;
	(tag) =	ssettag s2;
	_ =	strace s9  }
0x27: {  	s1 =	sld [smem:$0x3FAB]  }
0x28: {  	s2 =	sld [smem:$0x3FAC]  }
0x29: {  	s4 =	sld [smem:$0x3FAE]  }
0x2a: {  	p0 =	seq.s32 s5, $0x0;
	s5 =	sld [smem:$0x3FAF]  }
0x2b: {  	s6 =	sld [smem:$0x3FB0]  }
0x2c: {  	s7 =	sld [smem:$0x3FB1]  }
0x2d: {  	s3 =	simm.s32 $0x108;
	s8 =	sld [smem:$0x3FB2]  }
0x2e: {  	s3 =	simm.s32 @!p0 $0x1082;
	s9 =	sld [smem:$0x3FB3]  }
0x2f: {  	lr =	sadd.s32 s0, s3;
	s0 =	sld [smem:$0x3FAA]  }
0x30: {  	s3 =	sld [smem:$0x3FAD]  }
0x31: {  	[smem:$0x3FB6] =	sst s10  }
0x32: {  	s10 =	sld [smem:$0x3FB4];
	_ =	sdelay $0x3  }
0x33: {  	p0 =	seq.s32 s10, $0x1;
	s10 =	sld [smem:$0x3FB6];
	_ =	sdelay $0x3  }
0x34: {  	[smem:$0x3FB6] =	sst s10  }
0x35: {  	s10 =	sld [smem:$0x3FB5];
	_ =	sdelay $0x3  }
0x36: {  	p1 =	seq.s32 s10, $0x1;
	s10 =	sld [smem:$0x3FB6];
	_ =	sdelay $0x3  }
0x37: {  	[smem:$0x3FB6] =	sst s10  }
0x38: {  	s10 =	sld [smem:$0x3FB7]  }
0x39: {  	_ = 	snop;
	(pc) =	sbr.ind lr, $3  }
0x3a: {  	_ = 	snop  }
0x3b: {  	_ = 	snop  }
0x3c: {  	p2 =	seq.s32 s10, $0x1;
	s10 =	sld [smem:$0x3FB6]  }
0x3d: {  	_ =	shalt  }
0x3e: {  	_ =	shalt  }
0x3f: {  	_ =	shalt  }
0x40: {  	_ =	shalt  }
0x41: {  	_ =	shalt  }
0x42: {  	_ =	shalt  }
0x43: {  	_ =	shalt  }
0x44: {  	_ =	shalt  }
0x45: {  	_ =	shalt  }
0x46: {  	_ =	shalt  }
0x47: {  	_ =	shalt  }
0x48: {  	_ =	shalt  }
0x49: {  	_ =	shalt  }
0x4a: {  	_ =	shalt  }
0x4b: {  	_ =	shalt  }
0x4c: {  	_ =	shalt  }
0x4d: {  	_ =	shalt  }
0x4e: {  	_ =	shalt  }
0x4f: {  	_ =	shalt  }
0x50: {  	_ =	shalt  }
0x51: {  	_ =	shalt  }
0x52: {  	_ =	shalt  }
0x53: {  	_ =	shalt  }
0x54: {  	_ =	shalt  }
0x55: {  	_ =	shalt  }
0x56: {  	_ =	shalt  }
0x57: {  	_ =	shalt  }
0x58: {  	_ =	shalt  }
0x59: {  	_ =	shalt  }
0x5a: {  	_ =	shalt  }
0x5b: {  	_ =	shalt  }
0x5c: {  	_ =	shalt  }
0x5d: {  	_ =	shalt  }
0x5e: {  	_ =	shalt  }
0x5f: {  	_ =	shalt  }
0x60: {  	_ =	shalt  }
0x61: {  	_ =	shalt  }
0x62: {  	_ =	shalt  }
0x63: {  	_ =	shalt  }
0x64: {  	_ =	shalt  }
0x65: {  	_ =	shalt  }
0x66: {  	_ =	shalt  }
0x67: {  	_ =	shalt  }
0x68: {  	_ =	shalt  }
0x69: {  	_ =	shalt  }
0x6a: {  	_ =	shalt  }
0x6b: {  	_ =	shalt  }
0x6c: {  	_ =	shalt  }
0x6d: {  	_ =	shalt  }
0x6e: {  	_ =	shalt  }
0x6f: {  	_ =	shalt  }
0x70: {  	_ =	shalt  }
0x71: {  	_ =	shalt  }
0x72: {  	_ =	shalt  }
0x73: {  	_ =	shalt  }
0x74: {  	_ =	shalt  }
0x75: {  	_ =	shalt  }
0x76: {  	_ =	shalt  }
0x77: {  	_ =	shalt  }
0x78: {  	_ =	shalt  }
0x79: {  	_ =	shalt  }
0x7a: {  	_ =	shalt  }
0x7b: {  	_ =	shalt  }
0x7c: {  	_ =	shalt  }
0x7d: {  	_ =	shalt  }
0x7e: {  	_ =	shalt  }
0x7f: {  	_ =	shalt  }
0x80: {  	_ =	shalt  }
0x81: {  	_ =	shalt  }
0x82: {  	_ =	shalt  }
0x83: {  	_ =	shalt  }
0x84: {  	_ =	shalt  }
0x85: {  	_ =	shalt  }
0x86: {  	_ =	shalt  }
0x87: {  	_ =	shalt  }
.Lfunc_end0:
.L_simem_size_0:
called_computation.1_lowered:
.L_overlay_start_0:
0x88: {  	s2 =	sld [smem:$0x3FD9]  }
0x89: {  	s3 =	sld [smem:$0x3FFE];
	_ =	sdelay $0x1  }
0x8a: {  	s1 =	srdreg.scid  }
0x8b: {  	s0 =	sand.u32 $0x1, s1  }
0x8c: {  	s17 =	sshll.u32 s0, $0xA;
	s2 =	sadd.s32 s3, s2  }
0x8d: {  	s2 =	sadd.s32 s2, s17  }
0x8e: {  	[smem:$0x3FC2] =	sst s2  }
0x8f: {  	_ = 	snop  }
0x90: {  	(tm) =	ssettm $0x1  }
0x91: {  	s18 =	sld [smem:$0x3FFB];
	_ =	sdelay $0x3  }
0x92: {  	_ =	strace s18  }
0x93: {  	s2 =	sld [smem:$0x3FFC];
	_ =	sdelay $0x3  }
0x94: {  	_ =	strace s2  }
0x95: {  	s2 =	sld [smem:$0x3FFD];
	_ =	sdelay $0x3  }
0x96: {  	_ =	strace s2  }
0x97: {  	_ =	strace $0x8FFFFFFF  }
0x98: {  	s19 =	sld [smem:$0x3FDB];
	_ =	sdelay $0x1  }
0x99: {  	s20 =	simm.s32 $_scs_section_size  }
0x9a: {  	s4 =	simm.s32 $_size__tile_overlayer_lowered;
	s5 =	simm.s32 $_tile_overlayer_lowered  }
0x9b: {  	s6 =	simm.s32 $0x1BFF;
	s21 =	sshll.u32 s5, $0x1;
	s3 =	sadd.s32 s20, s19  }
0x9c: {  	s22 =	simm.s32 $0x0;
	s4 =	sshll.u32 s4, $0x1;
	s5 =	sadd.s32 s21, s3  }
0x9d: {  	[timem:s22], [sflag:s6] =	dma.local [hbm:s5], s4  }
0x9e: {  	_ =	swait.ge [sflag:s6], s4  }
0x9f: {  	s4 =	ssub.s32 $0x0, s4;
	[sflag:s6] =	ssyncset.done $0x0  }
0xa0: {  	[sflag:s6] =	ssyncadd.s32 s4;
	_ =	sdelay $0x1  }
0xa1: {  	s23 =	simm.s32 $0x1B8B  }
0xa2: {  	_ =	swait.ge [sflag:s23], $0x1  }
0xa3: {  	[sflag:s23] =	ssyncset.done $0x0  }
0xa4: {  	[sflag:s23] =	ssyncadd.s32 $0xFFFFFFFF  }
0xa5: {  	s4 =	sld [smem:$0x0]  }
0xa6: {  	s5 =	sand.u32 $0xFFFFFFFE, s1  }
0xa7: {  	p0 =	sne.s32 s1, s5  }
0xa8: {  	s5 =	sshll.u32 @p0 s5, $0xE  }
0xa9: {  	s5 =	sadd.s32 @p0 $0x11B8D, s5;
	s6 =	sshll.u32 @p0 s4, $0x11  }
0xaa: {  	s5 =	sor.u32 @p0 s6, s5  }
0xab: {  	[sflag:s5] =	ssyncadd.remote.s32 @p0 $0x1;
	_ =	sdelay $0x1  }
0xac: {  	s5 =	simm.s32 @p0 $0x1B8D  }
0xad: {  	_ =	swait.eq @p0 [sflag:s5], $0x1  }
0xae: {  	[sflag:s5] =	ssyncadd.s32 @p0 $0xFFFFFFFF  }
0xaf: {  	s6 =	sshll.u32 @!p0 s1, $0xE  }
0xb0: {  	s6 =	sor.u32 @!p0 $0x4000, s6;
	s5 =	simm.s32 @!p0 $0x1B8D  }
0xb1: {  	s4 =	sshll.u32 @!p0 s4, $0x11;
	s6 =	sadd.s32 @!p0 $0x11B8D, s6;
	_ =	swait.eq @!p0 [sflag:s5], $0x1  }
0xb2: {  	s4 =	sor.u32 @!p0 s4, s6;
	[sflag:s5] =	ssyncadd.s32 @!p0 $0xFFFFFFFF  }
0xb3: {  	s25 =	simm.s32 $0x1B8E;
	s24 =	sld [smem:$0x3FFE];
	[sflag:s4] =	ssyncadd.remote.s32 @!p0 $0x1  }
0xb4: {  	s26 =	simm.s32 $execute0_lowered;
	[smem:$0x3FD2] =	sst s25  }
0xb5: {  	s5 =	sshll.u32 s26, $0x1;
	_ =	strace $0x80000049;
	[dreg:$0x1] =	wrdreg $0xFFFFFFFF  }
0xb6: {  	s28 =	simm.s32 $_size_execute0_lowered;
	s3 =	sadd.s32 s3, s5;
	[dreg:$0x0] =	wrdreg $0x0  }
0xb7: {  	s5 =	sshll.u32 s28, $0x1;
	[dreg:$0x2] =	wrdreg s3  }
0xb8: {  	[dreg:$0x3] =	wrdreg s5  }
0xb9: {  	[dreg:$0x4] =	wrdreg $0xC0  }
0xba: {  	_ =	task [dreg:s22], $0x5FFFF  }
0xbb: {  	[dreg:$0x1] =	wrdreg $0xFFFFFFFF  }
0xbc: {  	[dreg:$0x0] =	wrdreg $0x60  }
0xbd: {  	[dreg:$0x2] =	wrdreg s24  }
0xbe: {  	[dreg:$0x3] =	wrdreg $0x6A800  }
0xbf: {  	[dreg:$0x4] =	wrdreg $0xA  }
0xc0: {  	_ =	task.clear_ibuf [dreg:s22], $0x5FFFF;
	_ =	strace $0x90000049  }
0xc1: {  	s29 =	simm.s32 $0xA;
	_ =	strace $0x8000004B  }
0xc2: {  	_ =	swait.ge [sflag:s29], $0x1  }
0xc3: {  	[sflag:s29] =	ssyncadd.s32 $0xFFFFFFFF  }
0xc4: {  	_ =	strace $0x9000004B  }
0xc5: {  	_ =	sfence  }
0xc6: {  	s30 =	sld [smem:$0x0];
	_ =	sdelay $0x2  }
0xc7: {  	s31 =	sshll.u32 s1, $0xD;
	s1 =	sshrl.u32 s1, $0x2  }
0xc8: {  	s4 =	sand.u32 $0x4000, s31;
	s1 =	sadd.s32 s1, s30  }
0xc9: {  	s0 =	sor.u32 s4, s0;
	s1 =	sshll.u32 s1, $0x11  }
0xca: {  	s0 =	sor.u32 s1, s0  }
0xcb: {  	s0 =	sadd.s32 $0x8F2B, s0  }
0xcc: {  	[sflag:s0] =	ssyncadd.remote.s32 $0x1  }
0xcd: {  	_ =	sfence.sel $0xFFFF  }
0xce: {  	[dreg:$0x0] =	wrdreg $0xFFFFFFFF;
	(pc) =	sbr.abs _section_cstart, $3  }
0xcf: {  	[dreg:$0x1] =	wrdreg $0xFFFFFFFF  }
0xd0: {  	_ =	task.clear_ibuf [dreg:s22], $0x2FFFF;
	_ =	strace $0x9FFFFFFF  }
0xd1: {  	(tm) =	ssettm $0x7FFFFFFF  }
tec
execute0_lowered:
.L_overlay_start_1:
0x0: {  	(tag) =	ssettag $0x1  }
0x1: {  	s0 =	srdreg.scid;
	s5 =	rddreg [dreg:$0x0]  }
0x2: {  	s3 =	stileid.u32;
	s1 =	rddreg [dreg:$0x1];
	s2 =	simm.s32 $0x0  }
0x3: {  	s20 =	simm.s32 $0x190;
	s18 =	simm.s32 $0x258;
	s16 =	simm.s32 $0x320  }
0x4: {  	s14 =	simm.s32 $0x3E8;
	s12 =	simm.s32 $0x4B0;
	p1 =	por $0x0, $0x0  }
0x5: {  	s4 =	sand.u32 $0x1, s0;
	s29 =	sshll.u32 s3, $0x1;
	s0 =	rddreg [dreg:$0x2]  }
0x6: {  	s30 =	sshrl.u32 s3, $0x3;
	[smem:$0x7FF] =	sst s2;
	s21 =	sadd.s32 $0x2200, s5  }
0x7: {  	p0 =	sne.s32 s3, $0x0;
	s6 =	sor.u32 s4, s29;
	s4 =	ssub.s32 $0x2, s4  }
0x8: {  	s8 =	smul.u32 $0x27100, s30;
	s7 =	sand.u32 $0xF, s6;
	s31 =	sshrl.u32 s4, $0x1  }
0x9: {  	s3 =	simm.s32 $0x2;
	s7 =	smul.u32 $0x640, s7;
	s4 =	ssub.s32 s4, s31  }
0xa: {  	_ =	strace $0x8000004A;
	s23 =	sshrl.u32 @!p0 s1, $0x3;
	s10 =	smax.u32 s4, $0x1  }
0xb: {  	s6 =	smul.u32 $0x6400, s6;
	s7 =	sadd.s32 s7, s8;
	s26 =	sadd.s32 $0xFFFFFFFF, s10  }
0xc: {  	s8 =	simm.s32 $0xC8;
	s7 =	sshrl.u32 s7, $0x3;
	p2 =	sne.s32 s26, $0x0  }
.Ltmp0:
0xd: {  	s7 =	sadd.s32 s5, s7;
	s5 =	sadd.s32 s6, s5;
	(pc) =	sbr.rel @!p2 .LBB2_3-.Ltmp0, $4  }
0xe: {  	s10 =	simm.s32 $0x578;
	s22 =	sadd.s32 $0x29A40, s7;
	s19 =	sadd.s32 $0x33200, s5  }
0xf: {  	s17 =	sadd.s32 $0x33E80, s5;
	s15 =	sadd.s32 $0x34B00, s5;
	s13 =	sadd.s32 $0x35780, s5  }
0x10: {  	s11 =	sadd.s32 $0x36400, s5;
	s9 =	sadd.s32 $0x37080, s5;
	s6 =	sadd.s32 $0x37D00, s5  }
0x11: {  	s4 =	sadd.s32 $0x38980, s5;
	s5 =	simm.s32 $0x680;
	s7 =	simm.s32 $0x1  }
0x12: {  	s24 =	simm.s32 @!p0 $0x1C02;
	s25 =	simm.s32 @!p0 $0x2  }
0x13: {  	[spmem:s23], [sflag:s24] =	dma.local @!p0 [hbm:s21], $0x27100  }
0x14: {  	_ =	swait.ge @!p0 [sflag:s25], $0x27100  }
0x15: {  	[sflag:s25] =	ssyncset.done @!p0 $0x0  }
0x16: {  	[sflag:s25] =	ssyncadd.s32 @!p0 $0xFFFD8F00  }
0x17: {  	[tilespmem:s2], [sflag:$0x2] =	stream.linear.gather [hbm4b:s22+s2], $0x640, $0x38;
	[tilespmem:$0x1A300] =	vst v63  }
0x18: {  	_ =	swait.ge [sflag:s3], $0x640  }
0x19: {  	[sflag:s3] =	ssyncset.done $0x0  }
0x1a: {  	[sflag:s3] =	ssyncadd.s32 $0xFFFFF9C0  }
0x1b: {  	[bflag:$0x0] =	sbarrier.arrive $0xFFFF  }
0x1c: {  	[tilespmem:s5], [sflag:$0x1] =	stream.indirect.gather [spmem:s1], $0x80, s2, s8, $0xb8;
	[tilespmem:$0x1A300] =	vst v63  }
0x1d: {  	_ =	swait.ge [sflag:s7], $0x6400  }
0x1e: {  	[sflag:s7] =	ssyncset.done $0x0  }
0x1f: {  	[sflag:s7] =	ssyncadd.s32 $0xFFFF9C00  }
0x20: {  	[hbm4b:s19+s2] =	stream.linear.scatter [tilespmem:s5], [sflag:$0x2], $0x6400, $0x38;
	[tilespmem:$0x1A300] =	vst v63  }
0x21: {  	_ =	swait.ge [sflag:s3], $0x6400  }
0x22: {  	[sflag:s3] =	ssyncset.done $0x0  }
0x23: {  	[sflag:s3] =	ssyncadd.s32 $0xFFFF9C00  }
0x24: {  	[tilespmem:s5], [sflag:$0x1] =	stream.indirect.gather [spmem:s1], $0x80, s8, s8, $0xb8;
	[tilespmem:$0x1A300] =	vst v63  }
0x25: {  	_ =	swait.ge [sflag:s7], $0x6400  }
0x26: {  	[sflag:s7] =	ssyncset.done $0x0  }
0x27: {  	[sflag:s7] =	ssyncadd.s32 $0xFFFF9C00  }
0x28: {  	[hbm4b:s17+s2] =	stream.linear.scatter [tilespmem:s5], [sflag:$0x2], $0x6400, $0x38;
	[tilespmem:$0x1A300] =	vst v63  }
0x29: {  	_ =	swait.ge [sflag:s3], $0x6400  }
0x2a: {  	[sflag:s3] =	ssyncset.done $0x0  }
0x2b: {  	[sflag:s3] =	ssyncadd.s32 $0xFFFF9C00  }
0x2c: {  	[tilespmem:s5], [sflag:$0x1] =	stream.indirect.gather [spmem:s1], $0x80, s20, s8, $0xb8;
	[tilespmem:$0x1A300] =	vst v63  }
0x2d: {  	_ =	swait.ge [sflag:s7], $0x6400  }
0x2e: {  	[sflag:s7] =	ssyncset.done $0x0  }
0x2f: {  	[sflag:s7] =	ssyncadd.s32 $0xFFFF9C00  }
0x30: {  	[hbm4b:s15+s2] =	stream.linear.scatter [tilespmem:s5], [sflag:$0x2], $0x6400, $0x38;
	[tilespmem:$0x1A300] =	vst v63  }
0x31: {  	_ =	swait.ge [sflag:s3], $0x6400  }
0x32: {  	[sflag:s3] =	ssyncset.done $0x0  }
0x33: {  	[sflag:s3] =	ssyncadd.s32 $0xFFFF9C00  }
0x34: {  	[tilespmem:s5], [sflag:$0x1] =	stream.indirect.gather [spmem:s1], $0x80, s18, s8, $0xb8;
	[tilespmem:$0x1A300] =	vst v63  }
0x35: {  	_ =	swait.ge [sflag:s7], $0x6400  }
0x36: {  	[sflag:s7] =	ssyncset.done $0x0  }
0x37: {  	[sflag:s7] =	ssyncadd.s32 $0xFFFF9C00  }
0x38: {  	[hbm4b:s13+s2] =	stream.linear.scatter [tilespmem:s5], [sflag:$0x2], $0x6400, $0x38;
	[tilespmem:$0x1A300] =	vst v63  }
0x39: {  	_ =	swait.ge [sflag:s3], $0x6400  }
0x3a: {  	[sflag:s3] =	ssyncset.done $0x0  }
0x3b: {  	[sflag:s3] =	ssyncadd.s32 $0xFFFF9C00  }
0x3c: {  	[tilespmem:s5], [sflag:$0x1] =	stream.indirect.gather [spmem:s1], $0x80, s16, s8, $0xb8;
	[tilespmem:$0x1A300] =	vst v63  }
0x3d: {  	_ =	swait.ge [sflag:s7], $0x6400  }
0x3e: {  	[sflag:s7] =	ssyncset.done $0x0  }
0x3f: {  	[sflag:s7] =	ssyncadd.s32 $0xFFFF9C00  }
0x40: {  	[hbm4b:s11+s2] =	stream.linear.scatter [tilespmem:s5], [sflag:$0x2], $0x6400, $0x38;
	[tilespmem:$0x1A300] =	vst v63  }
0x41: {  	_ =	swait.ge [sflag:s3], $0x6400  }
0x42: {  	[sflag:s3] =	ssyncset.done $0x0  }
0x43: {  	[sflag:s3] =	ssyncadd.s32 $0xFFFF9C00  }
0x44: {  	[tilespmem:s5], [sflag:$0x1] =	stream.indirect.gather [spmem:s1], $0x80, s14, s8, $0xb8;
	[tilespmem:$0x1A300] =	vst v63  }
0x45: {  	_ =	swait.ge [sflag:s7], $0x6400  }
0x46: {  	[sflag:s7] =	ssyncset.done $0x0  }
0x47: {  	[sflag:s7] =	ssyncadd.s32 $0xFFFF9C00  }
0x48: {  	[hbm4b:s9+s2] =	stream.linear.scatter [tilespmem:s5], [sflag:$0x2], $0x6400, $0x38;
	[tilespmem:$0x1A300] =	vst v63  }
0x49: {  	_ =	swait.ge [sflag:s3], $0x6400  }
0x4a: {  	[sflag:s3] =	ssyncset.done $0x0  }
0x4b: {  	[sflag:s3] =	ssyncadd.s32 $0xFFFF9C00  }
0x4c: {  	[tilespmem:s5], [sflag:$0x1] =	stream.indirect.gather [spmem:s1], $0x80, s12, s8, $0xb8;
	[tilespmem:$0x1A300] =	vst v63  }
0x4d: {  	_ =	swait.ge [sflag:s7], $0x6400  }
0x4e: {  	[sflag:s7] =	ssyncset.done $0x0  }
0x4f: {  	[sflag:s7] =	ssyncadd.s32 $0xFFFF9C00  }
0x50: {  	[hbm4b:s6+s2] =	stream.linear.scatter [tilespmem:s5], [sflag:$0x2], $0x6400, $0x38;
	[tilespmem:$0x1A300] =	vst v63  }
0x51: {  	_ =	swait.ge [sflag:s3], $0x6400  }
0x52: {  	[sflag:s3] =	ssyncset.done $0x0  }
0x53: {  	s26 =	sadd.s32 $0xFFFFFFFF, s26;
	[sflag:s3] =	ssyncadd.s32 $0xFFFF9C00  }
0x54: {  	[tilespmem:s5], [sflag:$0x1] =	stream.indirect.gather [spmem:s1], $0x80, s10, s8, $0xb8;
	[tilespmem:$0x1A300] =	vst v63  }
0x55: {  	p2 =	sne.s32 s26, $0x0;
	_ =	swait.ge [sflag:s7], $0x6400  }
.Ltmp1:
0x56: {  	[sflag:s7] =	ssyncset.done $0x0;
	(pc) =	sbr.rel @!p2 .LBB2_3-.Ltmp1, $4  }
0x57: {  	[sflag:s7] =	ssyncadd.s32 $0xFFFF9C00  }
0x58: {  	[hbm4b:s4+s2] =	stream.linear.scatter [tilespmem:s5], [sflag:$0x2], $0x6400, $0x38;
	[tilespmem:$0x1A300] =	vst v63  }
0x59: {  	_ =	swait.ge [sflag:s3], $0x6400  }
0x5a: {  	p1 =	por $0x1, $0x1;
	[sflag:s3] =	ssyncset.done $0x0  }
.LBB2_2:
0x5b: {  	[sflag:s3] =	ssyncadd.s32 $0xFFFF9C00  }
0x5c: {  	[spmem:s23], [sflag:s24] =	dma.local @!p0 [hbm:s21], $0x27100  }
0x5d: {  	s26 =	sadd.s32 $0xFFFFFFFF, s26;
	_ =	swait.ge @!p0 [sflag:s25], $0x27100  }
0x5e: {  	p2 =	sne.s32 s26, $0x0;
	[sflag:s25] =	ssyncset.done @!p0 $0x0  }
0x5f: {  	[sflag:s25] =	ssyncadd.s32 @!p0 $0xFFFD8F00  }
0x60: {  	[tilespmem:s2], [sflag:$0x2] =	stream.linear.gather [hbm4b:s22+s2], $0x640, $0x38;
	[tilespmem:$0x1A300] =	vst v63  }
0x61: {  	_ =	swait.ge [sflag:s3], $0x640  }
0x62: {  	[sflag:s3] =	ssyncset.done $0x0  }
0x63: {  	[sflag:s3] =	ssyncadd.s32 $0xFFFFF9C0  }
0x64: {  	[bflag:$0x0] =	sbarrier.arrive $0xFFFF  }
0x65: {  	[tilespmem:s5], [sflag:$0x1] =	stream.indirect.gather [spmem:s1], $0x80, s2, s8, $0xb8;
	[tilespmem:$0x1A300] =	vst v63  }
0x66: {  	_ =	swait.ge [sflag:s7], $0x6400  }
0x67: {  	[sflag:s7] =	ssyncset.done $0x0  }
0x68: {  	[sflag:s7] =	ssyncadd.s32 $0xFFFF9C00  }
0x69: {  	[hbm4b:s19+s2] =	stream.linear.scatter [tilespmem:s5], [sflag:$0x2], $0x6400, $0x38;
	[tilespmem:$0x1A300] =	vst v63  }
0x6a: {  	_ =	swait.ge [sflag:s3], $0x6400  }
0x6b: {  	[sflag:s3] =	ssyncset.done $0x0  }
0x6c: {  	[sflag:s3] =	ssyncadd.s32 $0xFFFF9C00  }
0x6d: {  	[tilespmem:s5], [sflag:$0x1] =	stream.indirect.gather [spmem:s1], $0x80, s8, s8, $0xb8;
	[tilespmem:$0x1A300] =	vst v63  }
0x6e: {  	_ =	swait.ge [sflag:s7], $0x6400  }
0x6f: {  	[sflag:s7] =	ssyncset.done $0x0  }
0x70: {  	[sflag:s7] =	ssyncadd.s32 $0xFFFF9C00  }
0x71: {  	[hbm4b:s17+s2] =	stream.linear.scatter [tilespmem:s5], [sflag:$0x2], $0x6400, $0x38;
	[tilespmem:$0x1A300] =	vst v63  }
0x72: {  	_ =	swait.ge [sflag:s3], $0x6400  }
0x73: {  	[sflag:s3] =	ssyncset.done $0x0  }
0x74: {  	[sflag:s3] =	ssyncadd.s32 $0xFFFF9C00  }
0x75: {  	[tilespmem:s5], [sflag:$0x1] =	stream.indirect.gather [spmem:s1], $0x80, s20, s8, $0xb8;
	[tilespmem:$0x1A300] =	vst v63  }
0x76: {  	_ =	swait.ge [sflag:s7], $0x6400  }
0x77: {  	[sflag:s7] =	ssyncset.done $0x0  }
0x78: {  	[sflag:s7] =	ssyncadd.s32 $0xFFFF9C00  }
0x79: {  	[hbm4b:s15+s2] =	stream.linear.scatter [tilespmem:s5], [sflag:$0x2], $0x6400, $0x38;
	[tilespmem:$0x1A300] =	vst v63  }
0x7a: {  	_ =	swait.ge [sflag:s3], $0x6400  }
0x7b: {  	[sflag:s3] =	ssyncset.done $0x0  }
0x7c: {  	[sflag:s3] =	ssyncadd.s32 $0xFFFF9C00  }
0x7d: {  	[tilespmem:s5], [sflag:$0x1] =	stream.indirect.gather [spmem:s1], $0x80, s18, s8, $0xb8;
	[tilespmem:$0x1A300] =	vst v63  }
0x7e: {  	_ =	swait.ge [sflag:s7], $0x6400  }
0x7f: {  	[sflag:s7] =	ssyncset.done $0x0  }
0x80: {  	[sflag:s7] =	ssyncadd.s32 $0xFFFF9C00  }
0x81: {  	[hbm4b:s13+s2] =	stream.linear.scatter [tilespmem:s5], [sflag:$0x2], $0x6400, $0x38;
	[tilespmem:$0x1A300] =	vst v63  }
0x82: {  	_ =	swait.ge [sflag:s3], $0x6400  }
0x83: {  	[sflag:s3] =	ssyncset.done $0x0  }
0x84: {  	[sflag:s3] =	ssyncadd.s32 $0xFFFF9C00  }
0x85: {  	[tilespmem:s5], [sflag:$0x1] =	stream.indirect.gather [spmem:s1], $0x80, s16, s8, $0xb8;
	[tilespmem:$0x1A300] =	vst v63  }
0x86: {  	_ =	swait.ge [sflag:s7], $0x6400  }
0x87: {  	[sflag:s7] =	ssyncset.done $0x0  }
0x88: {  	[sflag:s7] =	ssyncadd.s32 $0xFFFF9C00  }
0x89: {  	[hbm4b:s11+s2] =	stream.linear.scatter [tilespmem:s5], [sflag:$0x2], $0x6400, $0x38;
	[tilespmem:$0x1A300] =	vst v63  }
0x8a: {  	_ =	swait.ge [sflag:s3], $0x6400  }
0x8b: {  	[sflag:s3] =	ssyncset.done $0x0  }
0x8c: {  	[sflag:s3] =	ssyncadd.s32 $0xFFFF9C00  }
0x8d: {  	[tilespmem:s5], [sflag:$0x1] =	stream.indirect.gather [spmem:s1], $0x80, s14, s8, $0xb8;
	[tilespmem:$0x1A300] =	vst v63  }
0x8e: {  	_ =	swait.ge [sflag:s7], $0x6400  }
0x8f: {  	[sflag:s7] =	ssyncset.done $0x0  }
0x90: {  	[sflag:s7] =	ssyncadd.s32 $0xFFFF9C00  }
0x91: {  	[hbm4b:s9+s2] =	stream.linear.scatter [tilespmem:s5], [sflag:$0x2], $0x6400, $0x38;
	[tilespmem:$0x1A300] =	vst v63  }
0x92: {  	_ =	swait.ge [sflag:s3], $0x6400  }
0x93: {  	[sflag:s3] =	ssyncset.done $0x0  }
0x94: {  	[sflag:s3] =	ssyncadd.s32 $0xFFFF9C00  }
0x95: {  	[tilespmem:s5], [sflag:$0x1] =	stream.indirect.gather [spmem:s1], $0x80, s12, s8, $0xb8;
	[tilespmem:$0x1A300] =	vst v63  }
0x96: {  	_ =	swait.ge [sflag:s7], $0x6400  }
0x97: {  	[sflag:s7] =	ssyncset.done $0x0  }
0x98: {  	[sflag:s7] =	ssyncadd.s32 $0xFFFF9C00  }
0x99: {  	[hbm4b:s6+s2] =	stream.linear.scatter [tilespmem:s5], [sflag:$0x2], $0x6400, $0x38;
	[tilespmem:$0x1A300] =	vst v63  }
0x9a: {  	_ =	swait.ge [sflag:s3], $0x6400  }
0x9b: {  	[sflag:s3] =	ssyncset.done $0x0  }
0x9c: {  	[sflag:s3] =	ssyncadd.s32 $0xFFFF9C00  }
0x9d: {  	[tilespmem:s5], [sflag:$0x1] =	stream.indirect.gather [spmem:s1], $0x80, s10, s8, $0xb8;
	[tilespmem:$0x1A300] =	vst v63  }
0x9e: {  	_ =	swait.ge [sflag:s7], $0x6400  }
.Ltmp2:
0x9f: {  	[sflag:s7] =	ssyncset.done $0x0;
	(pc) =	sbr.rel @p2 .LBB2_2-.Ltmp2, $4  }
0xa0: {  	[sflag:s7] =	ssyncadd.s32 $0xFFFF9C00  }
0xa1: {  	[hbm4b:s4+s2] =	stream.linear.scatter [tilespmem:s5], [sflag:$0x2], $0x6400, $0x38;
	[tilespmem:$0x1A300] =	vst v63  }
0xa2: {  	_ =	swait.ge [sflag:s3], $0x6400  }
0xa3: {  	[sflag:s3] =	ssyncset.done $0x0  }
.LBB2_3:
0xa4: {  	s24 =	simm.s32 @!p0 $0x1C02;
	s25 =	simm.s32 @!p0 $0x2;
	[sflag:s3] =	ssyncadd.s32 @p1 $0xFFFF9C00  }
0xa5: {  	[spmem:s23], [sflag:s24] =	dma.local @!p0 [hbm:s21], $0x27100  }
0xa6: {  	_ =	swait.ge @!p0 [sflag:s25], $0x27100  }
0xa7: {  	[sflag:s25] =	ssyncset.done @!p0 $0x0  }
0xa8: {  	[sflag:s25] =	ssyncadd.s32 @!p0 $0xFFFD8F00  }
0xa9: {  	[tilespmem:s2], [sflag:$0x2] =	stream.linear.gather [hbm4b:s22+s2], $0x640, $0x38;
	[tilespmem:$0x1A300] =	vst v63  }
0xaa: {  	_ =	swait.ge [sflag:s3], $0x640  }
0xab: {  	[sflag:s3] =	ssyncset.done $0x0  }
0xac: {  	[sflag:s3] =	ssyncadd.s32 $0xFFFFF9C0  }
0xad: {  	[bflag:$0x0] =	sbarrier.arrive $0xFFFF  }
0xae: {  	[tilespmem:s5], [sflag:$0x1] =	stream.indirect.gather [spmem:s1], $0x80, s2, s8, $0xb8;
	[tilespmem:$0x1A300] =	vst v63  }
0xaf: {  	_ =	swait.ge [sflag:s7], $0x6400  }
0xb0: {  	[sflag:s7] =	ssyncset.done $0x0  }
0xb1: {  	[sflag:s7] =	ssyncadd.s32 $0xFFFF9C00  }
0xb2: {  	[hbm4b:s19+s2] =	stream.linear.scatter [tilespmem:s5], [sflag:$0x2], $0x6400, $0x38;
	[tilespmem:$0x1A300] =	vst v63  }
0xb3: {  	_ =	swait.ge [sflag:s3], $0x6400  }
0xb4: {  	[sflag:s3] =	ssyncset.done $0x0  }
0xb5: {  	[sflag:s3] =	ssyncadd.s32 $0xFFFF9C00  }
0xb6: {  	[tilespmem:s5], [sflag:$0x1] =	stream.indirect.gather [spmem:s1], $0x80, s8, s8, $0xb8;
	[tilespmem:$0x1A300] =	vst v63  }
0xb7: {  	_ =	swait.ge [sflag:s7], $0x6400  }
0xb8: {  	[sflag:s7] =	ssyncset.done $0x0  }
0xb9: {  	[sflag:s7] =	ssyncadd.s32 $0xFFFF9C00  }
0xba: {  	[hbm4b:s17+s2] =	stream.linear.scatter [tilespmem:s5], [sflag:$0x2], $0x6400, $0x38;
	[tilespmem:$0x1A300] =	vst v63  }
0xbb: {  	_ =	swait.ge [sflag:s3], $0x6400  }
0xbc: {  	[sflag:s3] =	ssyncset.done $0x0  }
0xbd: {  	[sflag:s3] =	ssyncadd.s32 $0xFFFF9C00  }
0xbe: {  	[tilespmem:s5], [sflag:$0x1] =	stream.indirect.gather [spmem:s1], $0x80, s20, s8, $0xb8;
	[tilespmem:$0x1A300] =	vst v63  }
0xbf: {  	_ =	swait.ge [sflag:s7], $0x6400  }
0xc0: {  	[sflag:s7] =	ssyncset.done $0x0  }
0xc1: {  	[sflag:s7] =	ssyncadd.s32 $0xFFFF9C00  }
0xc2: {  	[hbm4b:s15+s2] =	stream.linear.scatter [tilespmem:s5], [sflag:$0x2], $0x6400, $0x38;
	[tilespmem:$0x1A300] =	vst v63  }
0xc3: {  	_ =	swait.ge [sflag:s3], $0x6400  }
0xc4: {  	[sflag:s3] =	ssyncset.done $0x0  }
0xc5: {  	[sflag:s3] =	ssyncadd.s32 $0xFFFF9C00  }
0xc6: {  	[tilespmem:s5], [sflag:$0x1] =	stream.indirect.gather [spmem:s1], $0x80, s18, s8, $0xb8;
	[tilespmem:$0x1A300] =	vst v63  }
0xc7: {  	_ =	swait.ge [sflag:s7], $0x6400  }
0xc8: {  	[sflag:s7] =	ssyncset.done $0x0  }
0xc9: {  	[sflag:s7] =	ssyncadd.s32 $0xFFFF9C00  }
0xca: {  	[hbm4b:s13+s2] =	stream.linear.scatter [tilespmem:s5], [sflag:$0x2], $0x6400, $0x38;
	[tilespmem:$0x1A300] =	vst v63  }
0xcb: {  	_ =	swait.ge [sflag:s3], $0x6400  }
0xcc: {  	[sflag:s3] =	ssyncset.done $0x0  }
0xcd: {  	[sflag:s3] =	ssyncadd.s32 $0xFFFF9C00  }
0xce: {  	[tilespmem:s5], [sflag:$0x1] =	stream.indirect.gather [spmem:s1], $0x80, s16, s8, $0xb8;
	[tilespmem:$0x1A300] =	vst v63  }
0xcf: {  	_ =	swait.ge [sflag:s7], $0x6400  }
0xd0: {  	[sflag:s7] =	ssyncset.done $0x0  }
0xd1: {  	[sflag:s7] =	ssyncadd.s32 $0xFFFF9C00  }
0xd2: {  	[hbm4b:s11+s2] =	stream.linear.scatter [tilespmem:s5], [sflag:$0x2], $0x6400, $0x38;
	[tilespmem:$0x1A300] =	vst v63  }
0xd3: {  	_ =	swait.ge [sflag:s3], $0x6400  }
0xd4: {  	[sflag:s3] =	ssyncset.done $0x0  }
0xd5: {  	[sflag:s3] =	ssyncadd.s32 $0xFFFF9C00  }
0xd6: {  	[tilespmem:s5], [sflag:$0x1] =	stream.indirect.gather [spmem:s1], $0x80, s14, s8, $0xb8;
	[tilespmem:$0x1A300] =	vst v63  }
0xd7: {  	_ =	swait.ge [sflag:s7], $0x6400  }
0xd8: {  	[sflag:s7] =	ssyncset.done $0x0  }
0xd9: {  	[sflag:s7] =	ssyncadd.s32 $0xFFFF9C00  }
0xda: {  	[hbm4b:s9+s2] =	stream.linear.scatter [tilespmem:s5], [sflag:$0x2], $0x6400, $0x38;
	[tilespmem:$0x1A300] =	vst v63  }
0xdb: {  	_ =	swait.ge [sflag:s3], $0x6400  }
0xdc: {  	[sflag:s3] =	ssyncset.done $0x0  }
0xdd: {  	[sflag:s3] =	ssyncadd.s32 $0xFFFF9C00  }
0xde: {  	[tilespmem:s5], [sflag:$0x1] =	stream.indirect.gather [spmem:s1], $0x80, s12, s8, $0xb8;
	[tilespmem:$0x1A300] =	vst v63  }
0xdf: {  	_ =	swait.ge [sflag:s7], $0x6400  }
0xe0: {  	[sflag:s7] =	ssyncset.done $0x0  }
0xe1: {  	[sflag:s7] =	ssyncadd.s32 $0xFFFF9C00  }
0xe2: {  	[hbm4b:s6+s2] =	stream.linear.scatter [tilespmem:s5], [sflag:$0x2], $0x6400, $0x38;
	[tilespmem:$0x1A300] =	vst v63  }
0xe3: {  	_ =	swait.ge [sflag:s3], $0x6400  }
0xe4: {  	[sflag:s3] =	ssyncset.done $0x0  }
0xe5: {  	[sflag:s3] =	ssyncadd.s32 $0xFFFF9C00  }
0xe6: {  	[tilespmem:s5], [sflag:$0x1] =	stream.indirect.gather [spmem:s1], $0x80, s10, s8, $0xb8;
	[tilespmem:$0x1A300] =	vst v63  }
0xe7: {  	_ =	swait.ge [sflag:s7], $0x6400  }
0xe8: {  	[sflag:s7] =	ssyncset.done $0x0  }
0xe9: {  	[sflag:s7] =	ssyncadd.s32 $0xFFFF9C00  }
0xea: {  	[hbm4b:s4+s2] =	stream.linear.scatter [tilespmem:s5], [sflag:$0x2], $0x6400, $0x38;
	[tilespmem:$0x1A300] =	vst v63  }
0xeb: {  	_ =	swait.ge [sflag:s3], $0x6400  }
0xec: {  	[sflag:s3] =	ssyncset.done $0x0  }
0xed: {  	[sflag:s3] =	ssyncadd.s32 $0xFFFF9C00  }
0xee: {  	_ =	sfence.sel $0x180000  }
0xef: {  	[bflag:$0x0] =	sbarrier.arrive $0xFFFF  }
0xf0: {  	_ =	strace $0x9000004A  }
0xf1: {  	s0 =	sadd.s32 @!p0 $0x100000, s0;
	[bflag:$0x2] =	sbarrier.arrive $0xFFFF  }
0xf2: {  	[sflag:s0] =	ssyncadd.tile.s32 @!p0 $0x1;
	_ =	shalt  }
.Lfunc_end2:
_tile_overlayer_lowered:
.L_overlay_start_2:
0xf3: {  	(tag) =	ssettag $0x2  }
0xf4: {  	s0 =	rddreg [dreg:$0x0];
	s2 =	stileid.u32  }
0xf5: {  	s1 =	rddreg [dreg:$0x1];
	p0 =	sne.s32 s2, $0x0  }
0xf6: {  	s3 =	rddreg [dreg:$0x2];
	[bflag:$0x3] =	sbarrier.arrive $0xFFFF;
	s2 =	simm.s32 @!p0 $0x1C02  }
0xf7: {  	[timem:s3], [sflag:s2] =	dma.local @!p0 [hbm:s0], s1  }
0xf8: {  	s0 =	simm.s32 @!p0 $0x2  }
0xf9: {  	_ =	swait.ge @!p0 [sflag:s0], s1  }
0xfa: {  	s1 =	ssub.s32 @!p0 $0x0, s1;
	[sflag:s0] =	ssyncset.done @!p0 $0x0  }
0xfb: {  	[sflag:s0] =	ssyncadd.s32 @!p0 s1  }
0xfc: {  	[bflag:$0x3] =	sbarrier.arrive $0xFFFF  }
0xfd: {  	_ =	shalt  }

// kernel: kernel.19.cloned.1.call-start
scs
__scs_entry_jumppad:
0x0: {  	(pc) =	sbr.rel $0x88, $3  }
0x1: {  	(tag) =	ssettag $0x0;
	lr =	simm.s32 $0x1  }
0x2: {  	[smem:$0x3F9B] =	sst lr;
	_ =	strace $0xD0000000  }
0x3: {  	_ = 	snop  }
0x4: {  	_ = 	snop  }
0x5: {  	_ = 	snop  }
0x6: {  	_ = 	snop  }
0x7: {  	_ = 	snop  }
__scs_overlays_trampoline_lowered:
0x8: {  	[smem:$0x3FAA] =	sst s0  }
0x9: {  	[smem:$0x3FAB] =	sst s1  }
0xa: {  	[smem:$0x3FAC] =	sst s2  }
0xb: {  	[smem:$0x3FAD] =	sst s3  }
0xc: {  	[smem:$0x3FAE] =	sst s4  }
0xd: {  	[smem:$0x3FAF] =	sst s5  }
0xe: {  	[smem:$0x3FB0] =	sst s6  }
0xf: {  	[smem:$0x3FB1] =	sst s7  }
0x10: {  	[smem:$0x3FB2] =	sst s8  }
0x11: {  	[smem:$0x3FB3] =	sst s9;
	s0 =	simm.s32 @!p0 $0x0  }
0x12: {  	s1 =	sld [smem:$0x3F99];
	s0 =	simm.s32 @p0 $0x1  }
0x13: {  	[smem:$0x3FB4] =	sst s0;
	s0 =	simm.s32 @!p1 $0x0  }
0x14: {  	s2 =	sld [smem:$0x3F98];
	s0 =	simm.s32 @p1 $0x1  }
0x15: {  	[smem:$0x3FB5] =	sst s0;
	s0 =	simm.s32 @!p2 $0x0  }
0x16: {  	s3 =	sld [smem:$0x3FDB];
	s0 =	simm.s32 @p2 $0x1  }
0x17: {  	s4 =	simm.s32 $0x1BF5;
	[smem:$0x3FB7] =	sst s0  }
0x18: {  	s0 =	sld [smem:$0x3F9A];
	_ =	swait.ge [sflag:s4], $0x0  }
0x19: {  	s7 =	sld [smem:$0x3F9B]  }
0x1a: {  	s8 =	sadd.s32 $0xFFFFE003, lr  }
0x1b: {  	s9 =	sadd.s32 $0xFFFFFEF7, lr;
	s5 =	simm.s32 $0xFFFFFFFF;
	p2 =	slt.u32 s8, $0xFFFFF086  }
0x1c: {  	p1 =	slt.u32 s9, $0xF7A;
	s5 =	simm.s32 @!p2 $0x0  }
0x1d: {  	s5 =	simm.s32 @p1 $0x1;
	p0 =	seq.s32 s7, s2  }
0x1e: {  	s7 =	smul.u32 @!p0 $0xF7A, s2;
	p2 =	seq.s32 @!p0 s5, $0x0  }
0x1f: {  	s9 =	smul.u32 $0xF7A, s1;
	s8 =	simm.s32 @!p0 $0x1BF5;
	p2 =	por !p2, p0  }
0x20: {  	[sflag:s8] =	ssyncset.s32 @!p0 $0xFFFFF086;
	s6 =	sadd.s32 @!p0 s3, s7;
	s7 =	simm.s32 @!p0 $0x108  }
0x21: {  	s3 =	sadd.s32 s3, s9;
	s6 =	sadd.s32 @!p0 $0x88, s6;
	s7 =	simm.s32 @p2 $0x1082  }
0x22: {  	[simem:s7], [sflag:s8] =	dma.local @!p0 [hbm:s6], $0xF7A  }
0x23: {  	s9 =	sor.u32 $0xD0000000, s2;
	s6 =	simm.s32 $0x108;
	_ =	swait.ge @!p0 [sflag:s8], $0x0  }
0x24: {  	s3 =	sadd.s32 $0x88, s3;
	s6 =	simm.s32 @!p1 $0x1082;
	[sflag:s4] =	ssyncset.s32 $0xFFFFF086  }
0x25: {  	[simem:s6], [sflag:s4] =	dma.local [hbm:s3], $0xF7A  }
0x26: {  	[smem:$0x3F9B] =	sst s1;
	(tag) =	ssettag s2;
	_ =	strace s9  }
0x27: {  	s1 =	sld [smem:$0x3FAB]  }
0x28: {  	s2 =	sld [smem:$0x3FAC]  }
0x29: {  	s4 =	sld [smem:$0x3FAE]  }
0x2a: {  	p0 =	seq.s32 s5, $0x0;
	s5 =	sld [smem:$0x3FAF]  }
0x2b: {  	s6 =	sld [smem:$0x3FB0]  }
0x2c: {  	s7 =	sld [smem:$0x3FB1]  }
0x2d: {  	s3 =	simm.s32 $0x108;
	s8 =	sld [smem:$0x3FB2]  }
0x2e: {  	s3 =	simm.s32 @!p0 $0x1082;
	s9 =	sld [smem:$0x3FB3]  }
0x2f: {  	lr =	sadd.s32 s0, s3;
	s0 =	sld [smem:$0x3FAA]  }
0x30: {  	s3 =	sld [smem:$0x3FAD]  }
0x31: {  	[smem:$0x3FB6] =	sst s10  }
0x32: {  	s10 =	sld [smem:$0x3FB4];
	_ =	sdelay $0x3  }
0x33: {  	p0 =	seq.s32 s10, $0x1;
	s10 =	sld [smem:$0x3FB6];
	_ =	sdelay $0x3  }
0x34: {  	[smem:$0x3FB6] =	sst s10  }
0x35: {  	s10 =	sld [smem:$0x3FB5];
	_ =	sdelay $0x3  }
0x36: {  	p1 =	seq.s32 s10, $0x1;
	s10 =	sld [smem:$0x3FB6];
	_ =	sdelay $0x3  }
0x37: {  	[smem:$0x3FB6] =	sst s10  }
0x38: {  	s10 =	sld [smem:$0x3FB7]  }
0x39: {  	_ = 	snop;
	(pc) =	sbr.ind lr, $3  }
0x3a: {  	_ = 	snop  }
0x3b: {  	_ = 	snop  }
0x3c: {  	p2 =	seq.s32 s10, $0x1;
	s10 =	sld [smem:$0x3FB6]  }
0x3d: {  	_ =	shalt  }
0x3e: {  	_ =	shalt  }
0x3f: {  	_ =	shalt  }
0x40: {  	_ =	shalt  }
0x41: {  	_ =	shalt  }
0x42: {  	_ =	shalt  }
0x43: {  	_ =	shalt  }
0x44: {  	_ =	shalt  }
0x45: {  	_ =	shalt  }
0x46: {  	_ =	shalt  }
0x47: {  	_ =	shalt  }
0x48: {  	_ =	shalt  }
0x49: {  	_ =	shalt  }
0x4a: {  	_ =	shalt  }
0x4b: {  	_ =	shalt  }
0x4c: {  	_ =	shalt  }
0x4d: {  	_ =	shalt  }
0x4e: {  	_ =	shalt  }
0x4f: {  	_ =	shalt  }
0x50: {  	_ =	shalt  }
0x51: {  	_ =	shalt  }
0x52: {  	_ =	shalt  }
0x53: {  	_ =	shalt  }
0x54: {  	_ =	shalt  }
0x55: {  	_ =	shalt  }
0x56: {  	_ =	shalt  }
0x57: {  	_ =	shalt  }
0x58: {  	_ =	shalt  }
0x59: {  	_ =	shalt  }
0x5a: {  	_ =	shalt  }
0x5b: {  	_ =	shalt  }
0x5c: {  	_ =	shalt  }
0x5d: {  	_ =	shalt  }
0x5e: {  	_ =	shalt  }
0x5f: {  	_ =	shalt  }
0x60: {  	_ =	shalt  }
0x61: {  	_ =	shalt  }
0x62: {  	_ =	shalt  }
0x63: {  	_ =	shalt  }
0x64: {  	_ =	shalt  }
0x65: {  	_ =	shalt  }
0x66: {  	_ =	shalt  }
0x67: {  	_ =	shalt  }
0x68: {  	_ =	shalt  }
0x69: {  	_ =	shalt  }
0x6a: {  	_ =	shalt  }
0x6b: {  	_ =	shalt  }
0x6c: {  	_ =	shalt  }
0x6d: {  	_ =	shalt  }
0x6e: {  	_ =	shalt  }
0x6f: {  	_ =	shalt  }
0x70: {  	_ =	shalt  }
0x71: {  	_ =	shalt  }
0x72: {  	_ =	shalt  }
0x73: {  	_ =	shalt  }
0x74: {  	_ =	shalt  }
0x75: {  	_ =	shalt  }
0x76: {  	_ =	shalt  }
0x77: {  	_ =	shalt  }
0x78: {  	_ =	shalt  }
0x79: {  	_ =	shalt  }
0x7a: {  	_ =	shalt  }
0x7b: {  	_ =	shalt  }
0x7c: {  	_ =	shalt  }
0x7d: {  	_ =	shalt  }
0x7e: {  	_ =	shalt  }
0x7f: {  	_ =	shalt  }
0x80: {  	_ =	shalt  }
0x81: {  	_ =	shalt  }
0x82: {  	_ =	shalt  }
0x83: {  	_ =	shalt  }
0x84: {  	_ =	shalt  }
0x85: {  	_ =	shalt  }
0x86: {  	_ =	shalt  }
0x87: {  	_ =	shalt  }
.Lfunc_end0:
.L_simem_size_0:
called_computation.2_lowered:
.L_overlay_start_0:
0x88: {  	s2 =	sld [smem:$0x3FD9]  }
0x89: {  	s3 =	sld [smem:$0x3FFE];
	_ =	sdelay $0x1  }
0x8a: {  	s1 =	srdreg.scid  }
0x8b: {  	s0 =	sand.u32 $0x1, s1  }
0x8c: {  	s17 =	sshll.u32 s0, $0xA;
	s2 =	sadd.s32 s3, s2  }
0x8d: {  	s2 =	sadd.s32 s2, s17  }
0x8e: {  	[smem:$0x3FC2] =	sst s2  }
0x8f: {  	_ = 	snop  }
0x90: {  	(tm) =	ssettm $0x1  }
0x91: {  	s18 =	sld [smem:$0x3FFB];
	_ =	sdelay $0x3  }
0x92: {  	_ =	strace s18  }
0x93: {  	s2 =	sld [smem:$0x3FFC];
	_ =	sdelay $0x3  }
0x94: {  	_ =	strace s2  }
0x95: {  	s2 =	sld [smem:$0x3FFD];
	_ =	sdelay $0x3  }
0x96: {  	_ =	strace s2  }
0x97: {  	_ =	strace $0x8FFFFFFF  }
0x98: {  	s19 =	sld [smem:$0x3FDB];
	_ =	sdelay $0x1  }
0x99: {  	s20 =	simm.s32 $_scs_section_size  }
0x9a: {  	s4 =	simm.s32 $_size__tile_overlayer_lowered;
	s5 =	simm.s32 $_tile_overlayer_lowered  }
0x9b: {  	s6 =	simm.s32 $0x1BFF;
	s21 =	sshll.u32 s5, $0x1;
	s3 =	sadd.s32 s20, s19  }
0x9c: {  	s22 =	simm.s32 $0x0;
	s4 =	sshll.u32 s4, $0x1;
	s5 =	sadd.s32 s21, s3  }
0x9d: {  	[timem:s22], [sflag:s6] =	dma.local [hbm:s5], s4  }
0x9e: {  	_ =	swait.ge [sflag:s6], s4  }
0x9f: {  	s4 =	ssub.s32 $0x0, s4;
	[sflag:s6] =	ssyncset.done $0x0  }
0xa0: {  	[sflag:s6] =	ssyncadd.s32 s4;
	_ =	sdelay $0x1  }
0xa1: {  	s23 =	simm.s32 $0x1B8B  }
0xa2: {  	_ =	swait.ge [sflag:s23], $0x1  }
0xa3: {  	[sflag:s23] =	ssyncset.done $0x0  }
0xa4: {  	[sflag:s23] =	ssyncadd.s32 $0xFFFFFFFF  }
0xa5: {  	s4 =	sld [smem:$0x0]  }
0xa6: {  	s5 =	sand.u32 $0xFFFFFFFE, s1  }
0xa7: {  	p0 =	sne.s32 s1, s5  }
0xa8: {  	s5 =	sshll.u32 @p0 s5, $0xE  }
0xa9: {  	s5 =	sadd.s32 @p0 $0x11B8D, s5;
	s6 =	sshll.u32 @p0 s4, $0x11  }
0xaa: {  	s5 =	sor.u32 @p0 s6, s5  }
0xab: {  	[sflag:s5] =	ssyncadd.remote.s32 @p0 $0x1;
	_ =	sdelay $0x1  }
0xac: {  	s5 =	simm.s32 @p0 $0x1B8D  }
0xad: {  	_ =	swait.eq @p0 [sflag:s5], $0x1  }
0xae: {  	[sflag:s5] =	ssyncadd.s32 @p0 $0xFFFFFFFF  }
0xaf: {  	s6 =	sshll.u32 @!p0 s1, $0xE  }
0xb0: {  	s6 =	sor.u32 @!p0 $0x4000, s6;
	s5 =	simm.s32 @!p0 $0x1B8D  }
0xb1: {  	s4 =	sshll.u32 @!p0 s4, $0x11;
	s6 =	sadd.s32 @!p0 $0x11B8D, s6;
	_ =	swait.eq @!p0 [sflag:s5], $0x1  }
0xb2: {  	s4 =	sor.u32 @!p0 s4, s6;
	[sflag:s5] =	ssyncadd.s32 @!p0 $0xFFFFFFFF  }
0xb3: {  	s25 =	simm.s32 $0x1B8E;
	s24 =	sld [smem:$0x3FFE];
	[sflag:s4] =	ssyncadd.remote.s32 @!p0 $0x1  }
0xb4: {  	s26 =	simm.s32 $execute0_lowered;
	[smem:$0x3FD2] =	sst s25  }
0xb5: {  	s5 =	sshll.u32 s26, $0x1;
	_ =	strace $0x8000004C;
	[dreg:$0x1] =	wrdreg $0xFFFFFFFF  }
0xb6: {  	s28 =	simm.s32 $_size_execute0_lowered;
	s3 =	sadd.s32 s3, s5;
	[dreg:$0x0] =	wrdreg $0x0  }
0xb7: {  	s5 =	sshll.u32 s28, $0x1;
	[dreg:$0x2] =	wrdreg s3  }
0xb8: {  	[dreg:$0x3] =	wrdreg s5  }
0xb9: {  	[dreg:$0x4] =	wrdreg $0xC0  }
0xba: {  	_ =	task [dreg:s22], $0x5FFFF  }
0xbb: {  	[dreg:$0x1] =	wrdreg $0xFFFFFFFF  }
0xbc: {  	[dreg:$0x0] =	wrdreg $0x60  }
0xbd: {  	[dreg:$0x2] =	wrdreg s24  }
0xbe: {  	[dreg:$0x3] =	wrdreg $0x6D800  }
0xbf: {  	[dreg:$0x4] =	wrdreg $0xB  }
0xc0: {  	_ =	task.clear_ibuf [dreg:s22], $0x5FFFF;
	_ =	strace $0x9000004C  }
0xc1: {  	s29 =	simm.s32 $0xB;
	_ =	strace $0x8000004E  }
0xc2: {  	_ =	swait.ge [sflag:s29], $0x1  }
0xc3: {  	[sflag:s29] =	ssyncadd.s32 $0xFFFFFFFF  }
0xc4: {  	_ =	strace $0x9000004E  }
0xc5: {  	_ =	sfence  }
0xc6: {  	s30 =	sld [smem:$0x0];
	_ =	sdelay $0x2  }
0xc7: {  	s31 =	sshll.u32 s1, $0xD;
	s1 =	sshrl.u32 s1, $0x2  }
0xc8: {  	s4 =	sand.u32 $0x4000, s31;
	s1 =	sadd.s32 s1, s30  }
0xc9: {  	s0 =	sor.u32 s4, s0;
	s1 =	sshll.u32 s1, $0x11  }
0xca: {  	s0 =	sor.u32 s1, s0  }
0xcb: {  	s0 =	sadd.s32 $0x8F2B, s0  }
0xcc: {  	[sflag:s0] =	ssyncadd.remote.s32 $0x1  }
0xcd: {  	_ =	sfence.sel $0xFFFF  }
0xce: {  	[dreg:$0x0] =	wrdreg $0xFFFFFFFF;
	(pc) =	sbr.abs _section_cstart, $3  }
0xcf: {  	[dreg:$0x1] =	wrdreg $0xFFFFFFFF  }
0xd0: {  	_ =	task.clear_ibuf [dreg:s22], $0x2FFFF;
	_ =	strace $0x9FFFFFFF  }
0xd1: {  	(tm) =	ssettm $0x7FFFFFFF  }
tec
execute0_lowered:
.L_overlay_start_1:
0x0: {  	(tag) =	ssettag $0x1  }
0x1: {  	s4 =	rddreg [dreg:$0x0]  }
0x2: {  	s7 =	stileid.u32;
	s0 =	srdreg.scid  }
0x3: {  	s1 =	rddreg [dreg:$0x1];
	s11 =	simm.s32 $0x1;
	s12 =	simm.s32 $0x0  }
0x4: {  	s5 =	sand.u32 $0x1, s0;
	s2 =	sshll.u32 s7, $0x1;
	s0 =	rddreg [dreg:$0x2]  }
0x5: {  	s6 =	sshrl.u32 s7, $0x3;
	s9 =	smul.u32 $0x12C00, s7;
	p0 =	sne.s32 s7, $0x0  }
0x6: {  	s3 =	sor.u32 s5, s2;
	s2 =	simm.s32 $0x0;
	s6 =	smul.u32 $0x27100, s6  }
0x7: {  	s29 =	ssub.s32 $0x2, s5;
	s5 =	smul.u32 $0x9600, s5;
	s3 =	sand.u32 $0xF, s3  }
0x8: {  	s7 =	sshrl.u32 @!p0 s1, $0x3;
	[smem:$0x7FF] =	sst s2;
	s8 =	smul.u32 $0x960, s3  }
0x9: {  	s9 =	sadd.s32 s9, s4;
	s10 =	sshrl.u32 s29, $0x1;
	_ =	strace $0x8000004D  }
0xa: {  	s3 =	sadd.s32 $0x2200, s4;
	s30 =	ssub.s32 s29, s10;
	s6 =	sadd.s32 s8, s6  }
0xb: {  	s31 =	sadd.s32 s5, s9;
	s9 =	simm.s32 $0xC8;
	s6 =	sshrl.u32 s6, $0x3  }
0xc: {  	s10 =	simm.s32 $0x980;
	s5 =	smax.u32 s30, $0x1;
	s4 =	sadd.s32 s4, s6  }
0xd: {  	s8 =	simm.s32 $0x2;
	s6 =	sadd.s32 $0xFB200, s31;
	s4 =	sadd.s32 $0x2A6C0, s4  }
.LBB2_1:
0xe: {  	s13 =	simm.s32 @!p0 $0x1C02  }
0xf: {  	[spmem:s7], [sflag:s13] =	dma.local @!p0 [hbm:s3], $0x27100  }
0x10: {  	s13 =	simm.s32 @!p0 $0x2  }
0x11: {  	_ =	swait.ge @!p0 [sflag:s13], $0x27100  }
0x12: {  	[sflag:s13] =	ssyncset.done @!p0 $0x0  }
0x13: {  	[sflag:s13] =	ssyncadd.s32 @!p0 $0xFFFD8F00  }
0x14: {  	[tilespmem:s2], [sflag:$0x2] =	stream.linear.gather [hbm4b:s4+s2], $0x960, $0x38;
	[tilespmem:$0x1A600] =	vst v63  }
0x15: {  	_ =	swait.ge [sflag:s8], $0x960  }
0x16: {  	[sflag:s8] =	ssyncset.done $0x0  }
0x17: {  	[sflag:s8] =	ssyncadd.s32 $0xFFFFF6A0  }
0x18: {  	s31 =	simm.s32 $0x0;
	[bflag:$0x0] =	sbarrier.arrive $0xFFFF  }
0x19: {  	[tilespmem:s10], [sflag:$0x1] =	stream.indirect.gather [spmem:s1], $0x80, s31, s9, $0xb8;
	[tilespmem:$0x1A600] =	vst v63  }
0x1a: {  	_ =	swait.ge [sflag:s11], $0x6400  }
0x1b: {  	[sflag:s11] =	ssyncset.done $0x0  }
0x1c: {  	[sflag:s11] =	ssyncadd.s32 $0xFFFF9C00  }
0x1d: {  	[hbm4b:s6+s2] =	stream.linear.scatter [tilespmem:s10], [sflag:$0x2], $0x6400, $0x38;
	[tilespmem:$0x1A600] =	vst v63  }
0x1e: {  	s14 =	simm.s32 $0x320;
	_ =	swait.ge [sflag:s8], $0x6400  }
0x1f: {  	s15 =	simm.s32 $0x640;
	s13 =	sadd.s32 $0xC80, s6;
	[sflag:s8] =	ssyncset.done $0x0  }
.LBB2_2:
0x20: {  	s16 =	sshra.s32 s14, $0x2  }
0x21: {  	[sflag:s8] =	ssyncadd.s32 $0xFFFF9C00;
	s14 =	smov.u32 s15;
	s17 =	sadd.s32 $0x320, s15  }
0x22: {  	[tilespmem:s10], [sflag:$0x1] =	stream.indirect.gather [spmem:s1], $0x80, s16, s9, $0xb8;
	[tilespmem:$0x1A600] =	vst v63  }
0x23: {  	p1 =	sne.s32 s15, $0x2260;
	_ =	swait.ge [sflag:s11], $0x6400  }
.Ltmp0:
0x24: {  	[sflag:s11] =	ssyncset.done $0x0;
	(pc) =	sbr.rel @p1 .LBB2_2-.Ltmp0, $4  }
0x25: {  	[sflag:s11] =	ssyncadd.s32 $0xFFFF9C00  }
0x26: {  	[hbm4b:s13+s2] =	stream.linear.scatter [tilespmem:s10], [sflag:$0x2], $0x6400, $0x38;
	[tilespmem:$0x1A600] =	vst v63  }
0x27: {  	_ =	swait.ge [sflag:s8], $0x6400  }
0x28: {  	s15 =	smov.u32 s17;
	s13 =	sadd.s32 $0xC80, s13;
	[sflag:s8] =	ssyncset.done $0x0  }
0x29: {  	s14 =	sshra.s32 s14, $0x2;
	[sflag:s8] =	ssyncadd.s32 $0xFFFF9C00  }
0x2a: {  	[tilespmem:s10], [sflag:$0x1] =	stream.indirect.gather [spmem:s1], $0x80, s14, s9, $0xb8;
	[tilespmem:$0x1A600] =	vst v63  }
0x2b: {  	s12 =	sadd.s32 $0x1, s12;
	_ =	swait.ge [sflag:s11], $0x6400  }
0x2c: {  	p1 =	sne.s32 s12, s5;
	[sflag:s11] =	ssyncset.done $0x0  }
.Ltmp1:
0x2d: {  	[sflag:s11] =	ssyncadd.s32 $0xFFFF9C00;
	(pc) =	sbr.rel @p1 .LBB2_1-.Ltmp1, $4  }
0x2e: {  	[hbm4b:s13+s2] =	stream.linear.scatter [tilespmem:s10], [sflag:$0x2], $0x6400, $0x38;
	[tilespmem:$0x1A600] =	vst v63  }
0x2f: {  	_ =	swait.ge [sflag:s8], $0x6400  }
0x30: {  	[sflag:s8] =	ssyncset.done $0x0  }
0x31: {  	[sflag:s8] =	ssyncadd.s32 $0xFFFF9C00  }
0x32: {  	_ =	sfence.sel $0x180000  }
0x33: {  	[bflag:$0x0] =	sbarrier.arrive $0xFFFF  }
0x34: {  	_ =	strace $0x9000004D  }
0x35: {  	s0 =	sadd.s32 @!p0 $0x100000, s0;
	[bflag:$0x2] =	sbarrier.arrive $0xFFFF  }
0x36: {  	[sflag:s0] =	ssyncadd.tile.s32 @!p0 $0x1;
	_ =	shalt  }
.Lfunc_end2:
_tile_overlayer_lowered:
.L_overlay_start_2:
0x37: {  	(tag) =	ssettag $0x2  }
0x38: {  	s0 =	rddreg [dreg:$0x0];
	s2 =	stileid.u32  }
0x39: {  	s1 =	rddreg [dreg:$0x1];
	p0 =	sne.s32 s2, $0x0  }
0x3a: {  	s3 =	rddreg [dreg:$0x2];
	[bflag:$0x3] =	sbarrier.arrive $0xFFFF;
	s2 =	simm.s32 @!p0 $0x1C02  }
0x3b: {  	[timem:s3], [sflag:s2] =	dma.local @!p0 [hbm:s0], s1  }
0x3c: {  	s0 =	simm.s32 @!p0 $0x2  }
0x3d: {  	_ =	swait.ge @!p0 [sflag:s0], s1  }
0x3e: {  	s1 =	ssub.s32 @!p0 $0x0, s1;
	[sflag:s0] =	ssyncset.done @!p0 $0x0  }
0x3f: {  	[sflag:s0] =	ssyncadd.s32 @!p0 s1  }
0x40: {  	[bflag:$0x3] =	sbarrier.arrive $0xFFFF  }
0x41: {  	_ =	shalt  }

// kernel: kernel.22.cloned.1.call-start
scs
__scs_entry_jumppad:
0x0: {  	(pc) =	sbr.rel $0x88, $3  }
0x1: {  	(tag) =	ssettag $0x0;
	lr =	simm.s32 $0x1  }
0x2: {  	[smem:$0x3F9B] =	sst lr;
	_ =	strace $0xD0000000  }
0x3: {  	_ = 	snop  }
0x4: {  	_ = 	snop  }
0x5: {  	_ = 	snop  }
0x6: {  	_ = 	snop  }
0x7: {  	_ = 	snop  }
__scs_overlays_trampoline_lowered:
0x8: {  	[smem:$0x3FAA] =	sst s0  }
0x9: {  	[smem:$0x3FAB] =	sst s1  }
0xa: {  	[smem:$0x3FAC] =	sst s2  }
0xb: {  	[smem:$0x3FAD] =	sst s3  }
0xc: {  	[smem:$0x3FAE] =	sst s4  }
0xd: {  	[smem:$0x3FAF] =	sst s5  }
0xe: {  	[smem:$0x3FB0] =	sst s6  }
0xf: {  	[smem:$0x3FB1] =	sst s7  }
0x10: {  	[smem:$0x3FB2] =	sst s8  }
0x11: {  	[smem:$0x3FB3] =	sst s9;
	s0 =	simm.s32 @!p0 $0x0  }
0x12: {  	s1 =	sld [smem:$0x3F99];
	s0 =	simm.s32 @p0 $0x1  }
0x13: {  	[smem:$0x3FB4] =	sst s0;
	s0 =	simm.s32 @!p1 $0x0  }
0x14: {  	s2 =	sld [smem:$0x3F98];
	s0 =	simm.s32 @p1 $0x1  }
0x15: {  	[smem:$0x3FB5] =	sst s0;
	s0 =	simm.s32 @!p2 $0x0  }
0x16: {  	s3 =	sld [smem:$0x3FDB];
	s0 =	simm.s32 @p2 $0x1  }
0x17: {  	s4 =	simm.s32 $0x1BF5;
	[smem:$0x3FB7] =	sst s0  }
0x18: {  	s0 =	sld [smem:$0x3F9A];
	_ =	swait.ge [sflag:s4], $0x0  }
0x19: {  	s7 =	sld [smem:$0x3F9B]  }
0x1a: {  	s8 =	sadd.s32 $0xFFFFE003, lr  }
0x1b: {  	s9 =	sadd.s32 $0xFFFFFEF7, lr;
	s5 =	simm.s32 $0xFFFFFFFF;
	p2 =	slt.u32 s8, $0xFFFFF086  }
0x1c: {  	p1 =	slt.u32 s9, $0xF7A;
	s5 =	simm.s32 @!p2 $0x0  }
0x1d: {  	s5 =	simm.s32 @p1 $0x1;
	p0 =	seq.s32 s7, s2  }
0x1e: {  	s7 =	smul.u32 @!p0 $0xF7A, s2;
	p2 =	seq.s32 @!p0 s5, $0x0  }
0x1f: {  	s9 =	smul.u32 $0xF7A, s1;
	s8 =	simm.s32 @!p0 $0x1BF5;
	p2 =	por !p2, p0  }
0x20: {  	[sflag:s8] =	ssyncset.s32 @!p0 $0xFFFFF086;
	s6 =	sadd.s32 @!p0 s3, s7;
	s7 =	simm.s32 @!p0 $0x108  }
0x21: {  	s3 =	sadd.s32 s3, s9;
	s6 =	sadd.s32 @!p0 $0x88, s6;
	s7 =	simm.s32 @p2 $0x1082  }
0x22: {  	[simem:s7], [sflag:s8] =	dma.local @!p0 [hbm:s6], $0xF7A  }
0x23: {  	s9 =	sor.u32 $0xD0000000, s2;
	s6 =	simm.s32 $0x108;
	_ =	swait.ge @!p0 [sflag:s8], $0x0  }
0x24: {  	s3 =	sadd.s32 $0x88, s3;
	s6 =	simm.s32 @!p1 $0x1082;
	[sflag:s4] =	ssyncset.s32 $0xFFFFF086  }
0x25: {  	[simem:s6], [sflag:s4] =	dma.local [hbm:s3], $0xF7A  }
0x26: {  	[smem:$0x3F9B] =	sst s1;
	(tag) =	ssettag s2;
	_ =	strace s9  }
0x27: {  	s1 =	sld [smem:$0x3FAB]  }
0x28: {  	s2 =	sld [smem:$0x3FAC]  }
0x29: {  	s4 =	sld [smem:$0x3FAE]  }
0x2a: {  	p0 =	seq.s32 s5, $0x0;
	s5 =	sld [smem:$0x3FAF]  }
0x2b: {  	s6 =	sld [smem:$0x3FB0]  }
0x2c: {  	s7 =	sld [smem:$0x3FB1]  }
0x2d: {  	s3 =	simm.s32 $0x108;
	s8 =	sld [smem:$0x3FB2]  }
0x2e: {  	s3 =	simm.s32 @!p0 $0x1082;
	s9 =	sld [smem:$0x3FB3]  }
0x2f: {  	lr =	sadd.s32 s0, s3;
	s0 =	sld [smem:$0x3FAA]  }
0x30: {  	s3 =	sld [smem:$0x3FAD]  }
0x31: {  	[smem:$0x3FB6] =	sst s10  }
0x32: {  	s10 =	sld [smem:$0x3FB4];
	_ =	sdelay $0x3  }
0x33: {  	p0 =	seq.s32 s10, $0x1;
	s10 =	sld [smem:$0x3FB6];
	_ =	sdelay $0x3  }
0x34: {  	[smem:$0x3FB6] =	sst s10  }
0x35: {  	s10 =	sld [smem:$0x3FB5];
	_ =	sdelay $0x3  }
0x36: {  	p1 =	seq.s32 s10, $0x1;
	s10 =	sld [smem:$0x3FB6];
	_ =	sdelay $0x3  }
0x37: {  	[smem:$0x3FB6] =	sst s10  }
0x38: {  	s10 =	sld [smem:$0x3FB7]  }
0x39: {  	_ = 	snop;
	(pc) =	sbr.ind lr, $3  }
0x3a: {  	_ = 	snop  }
0x3b: {  	_ = 	snop  }
0x3c: {  	p2 =	seq.s32 s10, $0x1;
	s10 =	sld [smem:$0x3FB6]  }
0x3d: {  	_ =	shalt  }
0x3e: {  	_ =	shalt  }
0x3f: {  	_ =	shalt  }
0x40: {  	_ =	shalt  }
0x41: {  	_ =	shalt  }
0x42: {  	_ =	shalt  }
0x43: {  	_ =	shalt  }
0x44: {  	_ =	shalt  }
0x45: {  	_ =	shalt  }
0x46: {  	_ =	shalt  }
0x47: {  	_ =	shalt  }
0x48: {  	_ =	shalt  }
0x49: {  	_ =	shalt  }
0x4a: {  	_ =	shalt  }
0x4b: {  	_ =	shalt  }
0x4c: {  	_ =	shalt  }
0x4d: {  	_ =	shalt  }
0x4e: {  	_ =	shalt  }
0x4f: {  	_ =	shalt  }
0x50: {  	_ =	shalt  }
0x51: {  	_ =	shalt  }
0x52: {  	_ =	shalt  }
0x53: {  	_ =	shalt  }
0x54: {  	_ =	shalt  }
0x55: {  	_ =	shalt  }
0x56: {  	_ =	shalt  }
0x57: {  	_ =	shalt  }
0x58: {  	_ =	shalt  }
0x59: {  	_ =	shalt  }
0x5a: {  	_ =	shalt  }
0x5b: {  	_ =	shalt  }
0x5c: {  	_ =	shalt  }
0x5d: {  	_ =	shalt  }
0x5e: {  	_ =	shalt  }
0x5f: {  	_ =	shalt  }
0x60: {  	_ =	shalt  }
0x61: {  	_ =	shalt  }
0x62: {  	_ =	shalt  }
0x63: {  	_ =	shalt  }
0x64: {  	_ =	shalt  }
0x65: {  	_ =	shalt  }
0x66: {  	_ =	shalt  }
0x67: {  	_ =	shalt  }
0x68: {  	_ =	shalt  }
0x69: {  	_ =	shalt  }
0x6a: {  	_ =	shalt  }
0x6b: {  	_ =	shalt  }
0x6c: {  	_ =	shalt  }
0x6d: {  	_ =	shalt  }
0x6e: {  	_ =	shalt  }
0x6f: {  	_ =	shalt  }
0x70: {  	_ =	shalt  }
0x71: {  	_ =	shalt  }
0x72: {  	_ =	shalt  }
0x73: {  	_ =	shalt  }
0x74: {  	_ =	shalt  }
0x75: {  	_ =	shalt  }
0x76: {  	_ =	shalt  }
0x77: {  	_ =	shalt  }
0x78: {  	_ =	shalt  }
0x79: {  	_ =	shalt  }
0x7a: {  	_ =	shalt  }
0x7b: {  	_ =	shalt  }
0x7c: {  	_ =	shalt  }
0x7d: {  	_ =	shalt  }
0x7e: {  	_ =	shalt  }
0x7f: {  	_ =	shalt  }
0x80: {  	_ =	shalt  }
0x81: {  	_ =	shalt  }
0x82: {  	_ =	shalt  }
0x83: {  	_ =	shalt  }
0x84: {  	_ =	shalt  }
0x85: {  	_ =	shalt  }
0x86: {  	_ =	shalt  }
0x87: {  	_ =	shalt  }
.Lfunc_end0:
.L_simem_size_0:
called_computation.3_lowered:
.L_overlay_start_0:
0x88: {  	s2 =	sld [smem:$0x3FD9]  }
0x89: {  	s3 =	sld [smem:$0x3FFE];
	_ =	sdelay $0x1  }
0x8a: {  	s1 =	srdreg.scid  }
0x8b: {  	s0 =	sand.u32 $0x1, s1  }
0x8c: {  	s17 =	sshll.u32 s0, $0xA;
	s2 =	sadd.s32 s3, s2  }
0x8d: {  	s2 =	sadd.s32 s2, s17  }
0x8e: {  	[smem:$0x3FC2] =	sst s2  }
0x8f: {  	_ = 	snop  }
0x90: {  	(tm) =	ssettm $0x1  }
0x91: {  	s18 =	sld [smem:$0x3FFB];
	_ =	sdelay $0x3  }
0x92: {  	_ =	strace s18  }
0x93: {  	s2 =	sld [smem:$0x3FFC];
	_ =	sdelay $0x3  }
0x94: {  	_ =	strace s2  }
0x95: {  	s2 =	sld [smem:$0x3FFD];
	_ =	sdelay $0x3  }
0x96: {  	_ =	strace s2  }
0x97: {  	_ =	strace $0x8FFFFFFF  }
0x98: {  	s19 =	sld [smem:$0x3FDB];
	_ =	sdelay $0x1  }
0x99: {  	s20 =	simm.s32 $_scs_section_size  }
0x9a: {  	s4 =	simm.s32 $_size__tile_overlayer_lowered;
	s5 =	simm.s32 $_tile_overlayer_lowered  }
0x9b: {  	s6 =	simm.s32 $0x1BFF;
	s21 =	sshll.u32 s5, $0x1;
	s3 =	sadd.s32 s20, s19  }
0x9c: {  	s22 =	simm.s32 $0x0;
	s4 =	sshll.u32 s4, $0x1;
	s5 =	sadd.s32 s21, s3  }
0x9d: {  	[timem:s22], [sflag:s6] =	dma.local [hbm:s5], s4  }
0x9e: {  	_ =	swait.ge [sflag:s6], s4  }
0x9f: {  	s4 =	ssub.s32 $0x0, s4;
	[sflag:s6] =	ssyncset.done $0x0  }
0xa0: {  	[sflag:s6] =	ssyncadd.s32 s4;
	_ =	sdelay $0x1  }
0xa1: {  	s23 =	simm.s32 $0x1B8B  }
0xa2: {  	_ =	swait.ge [sflag:s23], $0x1  }
0xa3: {  	[sflag:s23] =	ssyncset.done $0x0  }
0xa4: {  	[sflag:s23] =	ssyncadd.s32 $0xFFFFFFFF  }
0xa5: {  	s4 =	sld [smem:$0x0]  }
0xa6: {  	s5 =	sand.u32 $0xFFFFFFFE, s1  }
0xa7: {  	p0 =	sne.s32 s1, s5  }
0xa8: {  	s5 =	sshll.u32 @p0 s5, $0xE  }
0xa9: {  	s5 =	sadd.s32 @p0 $0x11B8D, s5;
	s6 =	sshll.u32 @p0 s4, $0x11  }
0xaa: {  	s5 =	sor.u32 @p0 s6, s5  }
0xab: {  	[sflag:s5] =	ssyncadd.remote.s32 @p0 $0x1;
	_ =	sdelay $0x1  }
0xac: {  	s5 =	simm.s32 @p0 $0x1B8D  }
0xad: {  	_ =	swait.eq @p0 [sflag:s5], $0x1  }
0xae: {  	[sflag:s5] =	ssyncadd.s32 @p0 $0xFFFFFFFF  }
0xaf: {  	s6 =	sshll.u32 @!p0 s1, $0xE  }
0xb0: {  	s6 =	sor.u32 @!p0 $0x4000, s6;
	s5 =	simm.s32 @!p0 $0x1B8D  }
0xb1: {  	s4 =	sshll.u32 @!p0 s4, $0x11;
	s6 =	sadd.s32 @!p0 $0x11B8D, s6;
	_ =	swait.eq @!p0 [sflag:s5], $0x1  }
0xb2: {  	s4 =	sor.u32 @!p0 s4, s6;
	[sflag:s5] =	ssyncadd.s32 @!p0 $0xFFFFFFFF  }
0xb3: {  	s25 =	simm.s32 $0x1B8E;
	s24 =	sld [smem:$0x3FFE];
	[sflag:s4] =	ssyncadd.remote.s32 @!p0 $0x1  }
0xb4: {  	s26 =	simm.s32 $execute0_lowered;
	[smem:$0x3FD2] =	sst s25  }
0xb5: {  	s5 =	sshll.u32 s26, $0x1;
	_ =	strace $0x8000004F;
	[dreg:$0x1] =	wrdreg $0xFFFFFFFF  }
0xb6: {  	s28 =	simm.s32 $_size_execute0_lowered;
	s3 =	sadd.s32 s3, s5;
	[dreg:$0x0] =	wrdreg $0x0  }
0xb7: {  	s5 =	sshll.u32 s28, $0x1;
	[dreg:$0x2] =	wrdreg s3  }
0xb8: {  	[dreg:$0x3] =	wrdreg s5  }
0xb9: {  	[dreg:$0x4] =	wrdreg $0xC0  }
0xba: {  	_ =	task [dreg:s22], $0x5FFFF  }
0xbb: {  	[dreg:$0x1] =	wrdreg $0xFFFFFFFF  }
0xbc: {  	[dreg:$0x0] =	wrdreg $0x60  }
0xbd: {  	[dreg:$0x2] =	wrdreg s24  }
0xbe: {  	[dreg:$0x3] =	wrdreg $0x6F000  }
0xbf: {  	[dreg:$0x4] =	wrdreg $0xC  }
0xc0: {  	_ =	task.clear_ibuf [dreg:s22], $0x5FFFF;
	_ =	strace $0x9000004F  }
0xc1: {  	s29 =	simm.s32 $0xC;
	_ =	strace $0x80000051  }
0xc2: {  	_ =	swait.ge [sflag:s29], $0x1  }
0xc3: {  	[sflag:s29] =	ssyncadd.s32 $0xFFFFFFFF  }
0xc4: {  	_ =	strace $0x90000051  }
0xc5: {  	_ =	sfence  }
0xc6: {  	s30 =	sld [smem:$0x0];
	_ =	sdelay $0x2  }
0xc7: {  	s31 =	sshll.u32 s1, $0xD;
	s1 =	sshrl.u32 s1, $0x2  }
0xc8: {  	s4 =	sand.u32 $0x4000, s31;
	s1 =	sadd.s32 s1, s30  }
0xc9: {  	s0 =	sor.u32 s4, s0;
	s1 =	sshll.u32 s1, $0x11  }
0xca: {  	s0 =	sor.u32 s1, s0  }
0xcb: {  	s0 =	sadd.s32 $0x8F2B, s0  }
0xcc: {  	[sflag:s0] =	ssyncadd.remote.s32 $0x1  }
0xcd: {  	_ =	sfence.sel $0xFFFF  }
0xce: {  	[dreg:$0x0] =	wrdreg $0xFFFFFFFF;
	(pc) =	sbr.abs _section_cstart, $3  }
0xcf: {  	[dreg:$0x1] =	wrdreg $0xFFFFFFFF  }
0xd0: {  	_ =	task.clear_ibuf [dreg:s22], $0x2FFFF;
	_ =	strace $0x9FFFFFFF  }
0xd1: {  	(tm) =	ssettm $0x7FFFFFFF  }
tec
execute0_lowered:
.L_overlay_start_1:
0x0: {  	(tag) =	ssettag $0x1  }
0x1: {  	s4 =	rddreg [dreg:$0x0]  }
0x2: {  	s7 =	stileid.u32;
	s0 =	srdreg.scid  }
0x3: {  	s1 =	rddreg [dreg:$0x1];
	s11 =	simm.s32 $0x1;
	s12 =	simm.s32 $0x0  }
0x4: {  	s5 =	sand.u32 $0x1, s0;
	s2 =	sshll.u32 s7, $0x1;
	s0 =	rddreg [dreg:$0x2]  }
0x5: {  	s6 =	sshrl.u32 s7, $0x3;
	s9 =	smul.u32 $0x15E00, s7;
	p0 =	sne.s32 s7, $0x0  }
0x6: {  	s3 =	sor.u32 s5, s2;
	s2 =	simm.s32 $0x0;
	s6 =	smul.u32 $0x27100, s6  }
0x7: {  	s29 =	ssub.s32 $0x2, s5;
	s5 =	smul.u32 $0xAF00, s5;
	s3 =	sand.u32 $0xF, s3  }
0x8: {  	s7 =	sshrl.u32 @!p0 s1, $0x3;
	[smem:$0x7FF] =	sst s2;
	s8 =	smul.u32 $0xAF0, s3  }
0x9: {  	s9 =	sadd.s32 s9, s4;
	s10 =	sshrl.u32 s29, $0x1;
	_ =	strace $0x80000050  }
0xa: {  	s3 =	sadd.s32 $0x2200, s4;
	s30 =	ssub.s32 s29, s10;
	s6 =	sadd.s32 s8, s6  }
0xb: {  	s31 =	sadd.s32 s5, s9;
	s9 =	simm.s32 $0xC8;
	s6 =	sshrl.u32 s6, $0x3  }
0xc: {  	s10 =	simm.s32 $0xB00;
	s5 =	smax.u32 s30, $0x1;
	s4 =	sadd.s32 s4, s6  }
0xd: {  	s8 =	simm.s32 $0x2;
	s6 =	sadd.s32 $0x227200, s31;
	s4 =	sadd.s32 $0x2B980, s4  }
.LBB2_1:
0xe: {  	s13 =	simm.s32 @!p0 $0x1C02  }
0xf: {  	[spmem:s7], [sflag:s13] =	dma.local @!p0 [hbm:s3], $0x27100  }
0x10: {  	s13 =	simm.s32 @!p0 $0x2  }
0x11: {  	_ =	swait.ge @!p0 [sflag:s13], $0x27100  }
0x12: {  	[sflag:s13] =	ssyncset.done @!p0 $0x0  }
0x13: {  	[sflag:s13] =	ssyncadd.s32 @!p0 $0xFFFD8F00  }
0x14: {  	[tilespmem:s2], [sflag:$0x2] =	stream.linear.gather [hbm4b:s4+s2], $0xAF0, $0x38;
	[tilespmem:$0x1A780] =	vst v63  }
0x15: {  	_ =	swait.ge [sflag:s8], $0xAF0  }
0x16: {  	[sflag:s8] =	ssyncset.done $0x0  }
0x17: {  	[sflag:s8] =	ssyncadd.s32 $0xFFFFF510  }
0x18: {  	s31 =	simm.s32 $0x0;
	[bflag:$0x0] =	sbarrier.arrive $0xFFFF  }
0x19: {  	[tilespmem:s10], [sflag:$0x1] =	stream.indirect.gather [spmem:s1], $0x80, s31, s9, $0xb8;
	[tilespmem:$0x1A780] =	vst v63  }
0x1a: {  	_ =	swait.ge [sflag:s11], $0x6400  }
0x1b: {  	[sflag:s11] =	ssyncset.done $0x0  }
0x1c: {  	[sflag:s11] =	ssyncadd.s32 $0xFFFF9C00  }
0x1d: {  	[hbm4b:s6+s2] =	stream.linear.scatter [tilespmem:s10], [sflag:$0x2], $0x6400, $0x38;
	[tilespmem:$0x1A780] =	vst v63  }
0x1e: {  	s14 =	simm.s32 $0x320;
	_ =	swait.ge [sflag:s8], $0x6400  }
0x1f: {  	s15 =	simm.s32 $0x640;
	s13 =	sadd.s32 $0xC80, s6;
	[sflag:s8] =	ssyncset.done $0x0  }
.LBB2_2:
0x20: {  	s16 =	sshra.s32 s14, $0x2  }
0x21: {  	[sflag:s8] =	ssyncadd.s32 $0xFFFF9C00;
	s14 =	smov.u32 s15;
	s17 =	sadd.s32 $0x320, s15  }
0x22: {  	[tilespmem:s10], [sflag:$0x1] =	stream.indirect.gather [spmem:s1], $0x80, s16, s9, $0xb8;
	[tilespmem:$0x1A780] =	vst v63  }
0x23: {  	p1 =	sne.s32 s15, $0x28A0;
	_ =	swait.ge [sflag:s11], $0x6400  }
.Ltmp0:
0x24: {  	[sflag:s11] =	ssyncset.done $0x0;
	(pc) =	sbr.rel @p1 .LBB2_2-.Ltmp0, $4  }
0x25: {  	[sflag:s11] =	ssyncadd.s32 $0xFFFF9C00  }
0x26: {  	[hbm4b:s13+s2] =	stream.linear.scatter [tilespmem:s10], [sflag:$0x2], $0x6400, $0x38;
	[tilespmem:$0x1A780] =	vst v63  }
0x27: {  	_ =	swait.ge [sflag:s8], $0x6400  }
0x28: {  	s15 =	smov.u32 s17;
	s13 =	sadd.s32 $0xC80, s13;
	[sflag:s8] =	ssyncset.done $0x0  }
0x29: {  	s14 =	sshra.s32 s14, $0x2;
	[sflag:s8] =	ssyncadd.s32 $0xFFFF9C00  }
0x2a: {  	[tilespmem:s10], [sflag:$0x1] =	stream.indirect.gather [spmem:s1], $0x80, s14, s9, $0xb8;
	[tilespmem:$0x1A780] =	vst v63  }
0x2b: {  	s12 =	sadd.s32 $0x1, s12;
	_ =	swait.ge [sflag:s11], $0x6400  }
0x2c: {  	p1 =	sne.s32 s12, s5;
	[sflag:s11] =	ssyncset.done $0x0  }
.Ltmp1:
0x2d: {  	[sflag:s11] =	ssyncadd.s32 $0xFFFF9C00;
	(pc) =	sbr.rel @p1 .LBB2_1-.Ltmp1, $4  }
0x2e: {  	[hbm4b:s13+s2] =	stream.linear.scatter [tilespmem:s10], [sflag:$0x2], $0x6400, $0x38;
	[tilespmem:$0x1A780] =	vst v63  }
0x2f: {  	_ =	swait.ge [sflag:s8], $0x6400  }
0x30: {  	[sflag:s8] =	ssyncset.done $0x0  }
0x31: {  	[sflag:s8] =	ssyncadd.s32 $0xFFFF9C00  }
0x32: {  	_ =	sfence.sel $0x180000  }
0x33: {  	[bflag:$0x0] =	sbarrier.arrive $0xFFFF  }
0x34: {  	_ =	strace $0x90000050  }
0x35: {  	s0 =	sadd.s32 @!p0 $0x100000, s0;
	[bflag:$0x2] =	sbarrier.arrive $0xFFFF  }
0x36: {  	[sflag:s0] =	ssyncadd.tile.s32 @!p0 $0x1;
	_ =	shalt  }
.Lfunc_end2:
_tile_overlayer_lowered:
.L_overlay_start_2:
0x37: {  	(tag) =	ssettag $0x2  }
0x38: {  	s0 =	rddreg [dreg:$0x0];
	s2 =	stileid.u32  }
0x39: {  	s1 =	rddreg [dreg:$0x1];
	p0 =	sne.s32 s2, $0x0  }
0x3a: {  	s3 =	rddreg [dreg:$0x2];
	[bflag:$0x3] =	sbarrier.arrive $0xFFFF;
	s2 =	simm.s32 @!p0 $0x1C02  }
0x3b: {  	[timem:s3], [sflag:s2] =	dma.local @!p0 [hbm:s0], s1  }
0x3c: {  	s0 =	simm.s32 @!p0 $0x2  }
0x3d: {  	_ =	swait.ge @!p0 [sflag:s0], s1  }
0x3e: {  	s1 =	ssub.s32 @!p0 $0x0, s1;
	[sflag:s0] =	ssyncset.done @!p0 $0x0  }
0x3f: {  	[sflag:s0] =	ssyncadd.s32 @!p0 s1  }
0x40: {  	[bflag:$0x3] =	sbarrier.arrive $0xFFFF  }
0x41: {  	_ =	shalt  }

// kernel: kernel.25.cloned.1.call-start
scs
__scs_entry_jumppad:
0x0: {  	(pc) =	sbr.rel $0x88, $3  }
0x1: {  	(tag) =	ssettag $0x0;
	lr =	simm.s32 $0x1  }
0x2: {  	[smem:$0x3F9B] =	sst lr;
	_ =	strace $0xD0000000  }
0x3: {  	_ = 	snop  }
0x4: {  	_ = 	snop  }
0x5: {  	_ = 	snop  }
0x6: {  	_ = 	snop  }
0x7: {  	_ = 	snop  }
__scs_overlays_trampoline_lowered:
0x8: {  	[smem:$0x3FAA] =	sst s0  }
0x9: {  	[smem:$0x3FAB] =	sst s1  }
0xa: {  	[smem:$0x3FAC] =	sst s2  }
0xb: {  	[smem:$0x3FAD] =	sst s3  }
0xc: {  	[smem:$0x3FAE] =	sst s4  }
0xd: {  	[smem:$0x3FAF] =	sst s5  }
0xe: {  	[smem:$0x3FB0] =	sst s6  }
0xf: {  	[smem:$0x3FB1] =	sst s7  }
0x10: {  	[smem:$0x3FB2] =	sst s8  }
0x11: {  	[smem:$0x3FB3] =	sst s9;
	s0 =	simm.s32 @!p0 $0x0  }
0x12: {  	s1 =	sld [smem:$0x3F99];
	s0 =	simm.s32 @p0 $0x1  }
0x13: {  	[smem:$0x3FB4] =	sst s0;
	s0 =	simm.s32 @!p1 $0x0  }
0x14: {  	s2 =	sld [smem:$0x3F98];
	s0 =	simm.s32 @p1 $0x1  }
0x15: {  	[smem:$0x3FB5] =	sst s0;
	s0 =	simm.s32 @!p2 $0x0  }
0x16: {  	s3 =	sld [smem:$0x3FDB];
	s0 =	simm.s32 @p2 $0x1  }
0x17: {  	s4 =	simm.s32 $0x1BF5;
	[smem:$0x3FB7] =	sst s0  }
0x18: {  	s0 =	sld [smem:$0x3F9A];
	_ =	swait.ge [sflag:s4], $0x0  }
0x19: {  	s7 =	sld [smem:$0x3F9B]  }
0x1a: {  	s8 =	sadd.s32 $0xFFFFE003, lr  }
0x1b: {  	s9 =	sadd.s32 $0xFFFFFEF7, lr;
	s5 =	simm.s32 $0xFFFFFFFF;
	p2 =	slt.u32 s8, $0xFFFFF086  }
0x1c: {  	p1 =	slt.u32 s9, $0xF7A;
	s5 =	simm.s32 @!p2 $0x0  }
0x1d: {  	s5 =	simm.s32 @p1 $0x1;
	p0 =	seq.s32 s7, s2  }
0x1e: {  	s7 =	smul.u32 @!p0 $0xF7A, s2;
	p2 =	seq.s32 @!p0 s5, $0x0  }
0x1f: {  	s9 =	smul.u32 $0xF7A, s1;
	s8 =	simm.s32 @!p0 $0x1BF5;
	p2 =	por !p2, p0  }
0x20: {  	[sflag:s8] =	ssyncset.s32 @!p0 $0xFFFFF086;
	s6 =	sadd.s32 @!p0 s3, s7;
	s7 =	simm.s32 @!p0 $0x108  }
0x21: {  	s3 =	sadd.s32 s3, s9;
	s6 =	sadd.s32 @!p0 $0x88, s6;
	s7 =	simm.s32 @p2 $0x1082  }
0x22: {  	[simem:s7], [sflag:s8] =	dma.local @!p0 [hbm:s6], $0xF7A  }
0x23: {  	s9 =	sor.u32 $0xD0000000, s2;
	s6 =	simm.s32 $0x108;
	_ =	swait.ge @!p0 [sflag:s8], $0x0  }
0x24: {  	s3 =	sadd.s32 $0x88, s3;
	s6 =	simm.s32 @!p1 $0x1082;
	[sflag:s4] =	ssyncset.s32 $0xFFFFF086  }
0x25: {  	[simem:s6], [sflag:s4] =	dma.local [hbm:s3], $0xF7A  }
0x26: {  	[smem:$0x3F9B] =	sst s1;
	(tag) =	ssettag s2;
	_ =	strace s9  }
0x27: {  	s1 =	sld [smem:$0x3FAB]  }
0x28: {  	s2 =	sld [smem:$0x3FAC]  }
0x29: {  	s4 =	sld [smem:$0x3FAE]  }
0x2a: {  	p0 =	seq.s32 s5, $0x0;
	s5 =	sld [smem:$0x3FAF]  }
0x2b: {  	s6 =	sld [smem:$0x3FB0]  }
0x2c: {  	s7 =	sld [smem:$0x3FB1]  }
0x2d: {  	s3 =	simm.s32 $0x108;
	s8 =	sld [smem:$0x3FB2]  }
0x2e: {  	s3 =	simm.s32 @!p0 $0x1082;
	s9 =	sld [smem:$0x3FB3]  }
0x2f: {  	lr =	sadd.s32 s0, s3;
	s0 =	sld [smem:$0x3FAA]  }
0x30: {  	s3 =	sld [smem:$0x3FAD]  }
0x31: {  	[smem:$0x3FB6] =	sst s10  }
0x32: {  	s10 =	sld [smem:$0x3FB4];
	_ =	sdelay $0x3  }
0x33: {  	p0 =	seq.s32 s10, $0x1;
	s10 =	sld [smem:$0x3FB6];
	_ =	sdelay $0x3  }
0x34: {  	[smem:$0x3FB6] =	sst s10  }
0x35: {  	s10 =	sld [smem:$0x3FB5];
	_ =	sdelay $0x3  }
0x36: {  	p1 =	seq.s32 s10, $0x1;
	s10 =	sld [smem:$0x3FB6];
	_ =	sdelay $0x3  }
0x37: {  	[smem:$0x3FB6] =	sst s10  }
0x38: {  	s10 =	sld [smem:$0x3FB7]  }
0x39: {  	_ = 	snop;
	(pc) =	sbr.ind lr, $3  }
0x3a: {  	_ = 	snop  }
0x3b: {  	_ = 	snop  }
0x3c: {  	p2 =	seq.s32 s10, $0x1;
	s10 =	sld [smem:$0x3FB6]  }
0x3d: {  	_ =	shalt  }
0x3e: {  	_ =	shalt  }
0x3f: {  	_ =	shalt  }
0x40: {  	_ =	shalt  }
0x41: {  	_ =	shalt  }
0x42: {  	_ =	shalt  }
0x43: {  	_ =	shalt  }
0x44: {  	_ =	shalt  }
0x45: {  	_ =	shalt  }
0x46: {  	_ =	shalt  }
0x47: {  	_ =	shalt  }
0x48: {  	_ =	shalt  }
0x49: {  	_ =	shalt  }
0x4a: {  	_ =	shalt  }
0x4b: {  	_ =	shalt  }
0x4c: {  	_ =	shalt  }
0x4d: {  	_ =	shalt  }
0x4e: {  	_ =	shalt  }
0x4f: {  	_ =	shalt  }
0x50: {  	_ =	shalt  }
0x51: {  	_ =	shalt  }
0x52: {  	_ =	shalt  }
0x53: {  	_ =	shalt  }
0x54: {  	_ =	shalt  }
0x55: {  	_ =	shalt  }
0x56: {  	_ =	shalt  }
0x57: {  	_ =	shalt  }
0x58: {  	_ =	shalt  }
0x59: {  	_ =	shalt  }
0x5a: {  	_ =	shalt  }
0x5b: {  	_ =	shalt  }
0x5c: {  	_ =	shalt  }
0x5d: {  	_ =	shalt  }
0x5e: {  	_ =	shalt  }
0x5f: {  	_ =	shalt  }
0x60: {  	_ =	shalt  }
0x61: {  	_ =	shalt  }
0x62: {  	_ =	shalt  }
0x63: {  	_ =	shalt  }
0x64: {  	_ =	shalt  }
0x65: {  	_ =	shalt  }
0x66: {  	_ =	shalt  }
0x67: {  	_ =	shalt  }
0x68: {  	_ =	shalt  }
0x69: {  	_ =	shalt  }
0x6a: {  	_ =	shalt  }
0x6b: {  	_ =	shalt  }
0x6c: {  	_ =	shalt  }
0x6d: {  	_ =	shalt  }
0x6e: {  	_ =	shalt  }
0x6f: {  	_ =	shalt  }
0x70: {  	_ =	shalt  }
0x71: {  	_ =	shalt  }
0x72: {  	_ =	shalt  }
0x73: {  	_ =	shalt  }
0x74: {  	_ =	shalt  }
0x75: {  	_ =	shalt  }
0x76: {  	_ =	shalt  }
0x77: {  	_ =	shalt  }
0x78: {  	_ =	shalt  }
0x79: {  	_ =	shalt  }
0x7a: {  	_ =	shalt  }
0x7b: {  	_ =	shalt  }
0x7c: {  	_ =	shalt  }
0x7d: {  	_ =	shalt  }
0x7e: {  	_ =	shalt  }
0x7f: {  	_ =	shalt  }
0x80: {  	_ =	shalt  }
0x81: {  	_ =	shalt  }
0x82: {  	_ =	shalt  }
0x83: {  	_ =	shalt  }
0x84: {  	_ =	shalt  }
0x85: {  	_ =	shalt  }
0x86: {  	_ =	shalt  }
0x87: {  	_ =	shalt  }
.Lfunc_end0:
.L_simem_size_0:
called_computation.4_lowered:
.L_overlay_start_0:
0x88: {  	s2 =	sld [smem:$0x3FD9]  }
0x89: {  	s3 =	sld [smem:$0x3FFE];
	_ =	sdelay $0x1  }
0x8a: {  	s1 =	srdreg.scid  }
0x8b: {  	s0 =	sand.u32 $0x1, s1  }
0x8c: {  	s17 =	sshll.u32 s0, $0xA;
	s2 =	sadd.s32 s3, s2  }
0x8d: {  	s2 =	sadd.s32 s2, s17  }
0x8e: {  	[smem:$0x3FC2] =	sst s2  }
0x8f: {  	_ = 	snop  }
0x90: {  	(tm) =	ssettm $0x1  }
0x91: {  	s18 =	sld [smem:$0x3FFB];
	_ =	sdelay $0x3  }
0x92: {  	_ =	strace s18  }
0x93: {  	s2 =	sld [smem:$0x3FFC];
	_ =	sdelay $0x3  }
0x94: {  	_ =	strace s2  }
0x95: {  	s2 =	sld [smem:$0x3FFD];
	_ =	sdelay $0x3  }
0x96: {  	_ =	strace s2  }
0x97: {  	_ =	strace $0x8FFFFFFF  }
0x98: {  	s19 =	sld [smem:$0x3FDB];
	_ =	sdelay $0x1  }
0x99: {  	s20 =	simm.s32 $_scs_section_size  }
0x9a: {  	s4 =	simm.s32 $_size__tile_overlayer_lowered;
	s5 =	simm.s32 $_tile_overlayer_lowered  }
0x9b: {  	s6 =	simm.s32 $0x1BFF;
	s21 =	sshll.u32 s5, $0x1;
	s3 =	sadd.s32 s20, s19  }
0x9c: {  	s22 =	simm.s32 $0x0;
	s4 =	sshll.u32 s4, $0x1;
	s5 =	sadd.s32 s21, s3  }
0x9d: {  	[timem:s22], [sflag:s6] =	dma.local [hbm:s5], s4  }
0x9e: {  	_ =	swait.ge [sflag:s6], s4  }
0x9f: {  	s4 =	ssub.s32 $0x0, s4;
	[sflag:s6] =	ssyncset.done $0x0  }
0xa0: {  	[sflag:s6] =	ssyncadd.s32 s4;
	_ =	sdelay $0x1  }
0xa1: {  	s23 =	simm.s32 $0x1B8B  }
0xa2: {  	_ =	swait.ge [sflag:s23], $0x1  }
0xa3: {  	[sflag:s23] =	ssyncset.done $0x0  }
0xa4: {  	[sflag:s23] =	ssyncadd.s32 $0xFFFFFFFF  }
0xa5: {  	s4 =	sld [smem:$0x0]  }
0xa6: {  	s5 =	sand.u32 $0xFFFFFFFE, s1  }
0xa7: {  	p0 =	sne.s32 s1, s5  }
0xa8: {  	s5 =	sshll.u32 @p0 s5, $0xE  }
0xa9: {  	s5 =	sadd.s32 @p0 $0x11B8D, s5;
	s6 =	sshll.u32 @p0 s4, $0x11  }
0xaa: {  	s5 =	sor.u32 @p0 s6, s5  }
0xab: {  	[sflag:s5] =	ssyncadd.remote.s32 @p0 $0x1;
	_ =	sdelay $0x1  }
0xac: {  	s5 =	simm.s32 @p0 $0x1B8D  }
0xad: {  	_ =	swait.eq @p0 [sflag:s5], $0x1  }
0xae: {  	[sflag:s5] =	ssyncadd.s32 @p0 $0xFFFFFFFF  }
0xaf: {  	s6 =	sshll.u32 @!p0 s1, $0xE  }
0xb0: {  	s6 =	sor.u32 @!p0 $0x4000, s6;
	s5 =	simm.s32 @!p0 $0x1B8D  }
0xb1: {  	s4 =	sshll.u32 @!p0 s4, $0x11;
	s6 =	sadd.s32 @!p0 $0x11B8D, s6;
	_ =	swait.eq @!p0 [sflag:s5], $0x1  }
0xb2: {  	s4 =	sor.u32 @!p0 s4, s6;
	[sflag:s5] =	ssyncadd.s32 @!p0 $0xFFFFFFFF  }
0xb3: {  	s25 =	simm.s32 $0x1B8E;
	s24 =	sld [smem:$0x3FFE];
	[sflag:s4] =	ssyncadd.remote.s32 @!p0 $0x1  }
0xb4: {  	s26 =	simm.s32 $execute0_lowered;
	[smem:$0x3FD2] =	sst s25  }
0xb5: {  	s5 =	sshll.u32 s26, $0x1;
	_ =	strace $0x80000052;
	[dreg:$0x1] =	wrdreg $0xFFFFFFFF  }
0xb6: {  	s28 =	simm.s32 $_size_execute0_lowered;
	s3 =	sadd.s32 s3, s5;
	[dreg:$0x0] =	wrdreg $0x0  }
0xb7: {  	s5 =	sshll.u32 s28, $0x1;
	[dreg:$0x2] =	wrdreg s3  }
0xb8: {  	[dreg:$0x3] =	wrdreg s5  }
0xb9: {  	[dreg:$0x4] =	wrdreg $0xC0  }
0xba: {  	_ =	task [dreg:s22], $0x5FFFF  }
0xbb: {  	[dreg:$0x1] =	wrdreg $0xFFFFFFFF  }
0xbc: {  	[dreg:$0x0] =	wrdreg $0x60  }
0xbd: {  	[dreg:$0x2] =	wrdreg s24  }
0xbe: {  	[dreg:$0x3] =	wrdreg $0x6D800  }
0xbf: {  	[dreg:$0x4] =	wrdreg $0xD  }
0xc0: {  	_ =	task.clear_ibuf [dreg:s22], $0x5FFFF;
	_ =	strace $0x90000052  }
0xc1: {  	s29 =	simm.s32 $0xD;
	_ =	strace $0x80000054  }
0xc2: {  	_ =	swait.ge [sflag:s29], $0x1  }
0xc3: {  	[sflag:s29] =	ssyncadd.s32 $0xFFFFFFFF  }
0xc4: {  	_ =	strace $0x90000054  }
0xc5: {  	_ =	sfence  }
0xc6: {  	s30 =	sld [smem:$0x0];
	_ =	sdelay $0x2  }
0xc7: {  	s31 =	sshll.u32 s1, $0xD;
	s1 =	sshrl.u32 s1, $0x2  }
0xc8: {  	s4 =	sand.u32 $0x4000, s31;
	s1 =	sadd.s32 s1, s30  }
0xc9: {  	s0 =	sor.u32 s4, s0;
	s1 =	sshll.u32 s1, $0x11  }
0xca: {  	s0 =	sor.u32 s1, s0  }
0xcb: {  	s0 =	sadd.s32 $0x8F2B, s0  }
0xcc: {  	[sflag:s0] =	ssyncadd.remote.s32 $0x1  }
0xcd: {  	_ =	sfence.sel $0xFFFF  }
0xce: {  	[dreg:$0x0] =	wrdreg $0xFFFFFFFF;
	(pc) =	sbr.abs _section_cstart, $3  }
0xcf: {  	[dreg:$0x1] =	wrdreg $0xFFFFFFFF  }
0xd0: {  	_ =	task.clear_ibuf [dreg:s22], $0x2FFFF;
	_ =	strace $0x9FFFFFFF  }
0xd1: {  	(tm) =	ssettm $0x7FFFFFFF  }
tec
execute0_lowered:
.L_overlay_start_1:
0x0: {  	(tag) =	ssettag $0x1  }
0x1: {  	s4 =	rddreg [dreg:$0x0]  }
0x2: {  	s7 =	stileid.u32;
	s0 =	srdreg.scid  }
0x3: {  	s1 =	rddreg [dreg:$0x1];
	s11 =	simm.s32 $0x1;
	s12 =	simm.s32 $0x0  }
0x4: {  	s5 =	sand.u32 $0x1, s0;
	s2 =	sshll.u32 s7, $0x1;
	s0 =	rddreg [dreg:$0x2]  }
0x5: {  	s6 =	sshrl.u32 s7, $0x3;
	s9 =	smul.u32 $0x12C00, s7;
	p0 =	sne.s32 s7, $0x0  }
0x6: {  	s3 =	sor.u32 s5, s2;
	s2 =	simm.s32 $0x0;
	s6 =	smul.u32 $0x27100, s6  }
0x7: {  	s29 =	ssub.s32 $0x2, s5;
	s5 =	smul.u32 $0x9600, s5;
	s3 =	sand.u32 $0xF, s3  }
0x8: {  	s7 =	sshrl.u32 @!p0 s1, $0x3;
	[smem:$0x7FF] =	sst s2;
	s8 =	smul.u32 $0x960, s3  }
0x9: {  	s9 =	sadd.s32 s9, s4;
	s10 =	sshrl.u32 s29, $0x1;
	_ =	strace $0x80000053  }
0xa: {  	s3 =	sadd.s32 $0x2200, s4;
	s30 =	ssub.s32 s29, s10;
	s6 =	sadd.s32 s8, s6  }
0xb: {  	s31 =	sadd.s32 s5, s9;
	s9 =	simm.s32 $0xC8;
	s6 =	sshrl.u32 s6, $0x3  }
0xc: {  	s10 =	simm.s32 $0x980;
	s5 =	smax.u32 s30, $0x1;
	s4 =	sadd.s32 s4, s6  }
0xd: {  	s8 =	simm.s32 $0x2;
	s6 =	sadd.s32 $0x385200, s31;
	s4 =	sadd.s32 $0x2CF60, s4  }
.LBB2_1:
0xe: {  	s13 =	simm.s32 @!p0 $0x1C02  }
0xf: {  	[spmem:s7], [sflag:s13] =	dma.local @!p0 [hbm:s3], $0x27100  }
0x10: {  	s13 =	simm.s32 @!p0 $0x2  }
0x11: {  	_ =	swait.ge @!p0 [sflag:s13], $0x27100  }
0x12: {  	[sflag:s13] =	ssyncset.done @!p0 $0x0  }
0x13: {  	[sflag:s13] =	ssyncadd.s32 @!p0 $0xFFFD8F00  }
0x14: {  	[tilespmem:s2], [sflag:$0x2] =	stream.linear.gather [hbm4b:s4+s2], $0x960, $0x38;
	[tilespmem:$0x1A600] =	vst v63  }
0x15: {  	_ =	swait.ge [sflag:s8], $0x960  }
0x16: {  	[sflag:s8] =	ssyncset.done $0x0  }
0x17: {  	[sflag:s8] =	ssyncadd.s32 $0xFFFFF6A0  }
0x18: {  	s31 =	simm.s32 $0x0;
	[bflag:$0x0] =	sbarrier.arrive $0xFFFF  }
0x19: {  	[tilespmem:s10], [sflag:$0x1] =	stream.indirect.gather [spmem:s1], $0x80, s31, s9, $0xb8;
	[tilespmem:$0x1A600] =	vst v63  }
0x1a: {  	_ =	swait.ge [sflag:s11], $0x6400  }
0x1b: {  	[sflag:s11] =	ssyncset.done $0x0  }
0x1c: {  	[sflag:s11] =	ssyncadd.s32 $0xFFFF9C00  }
0x1d: {  	[hbm4b:s6+s2] =	stream.linear.scatter [tilespmem:s10], [sflag:$0x2], $0x6400, $0x38;
	[tilespmem:$0x1A600] =	vst v63  }
0x1e: {  	s14 =	simm.s32 $0x320;
	_ =	swait.ge [sflag:s8], $0x6400  }
0x1f: {  	s15 =	simm.s32 $0x640;
	s13 =	sadd.s32 $0xC80, s6;
	[sflag:s8] =	ssyncset.done $0x0  }
.LBB2_2:
0x20: {  	s16 =	sshra.s32 s14, $0x2  }
0x21: {  	[sflag:s8] =	ssyncadd.s32 $0xFFFF9C00;
	s14 =	smov.u32 s15;
	s17 =	sadd.s32 $0x320, s15  }
0x22: {  	[tilespmem:s10], [sflag:$0x1] =	stream.indirect.gather [spmem:s1], $0x80, s16, s9, $0xb8;
	[tilespmem:$0x1A600] =	vst v63  }
0x23: {  	p1 =	sne.s32 s15, $0x2260;
	_ =	swait.ge [sflag:s11], $0x6400  }
.Ltmp0:
0x24: {  	[sflag:s11] =	ssyncset.done $0x0;
	(pc) =	sbr.rel @p1 .LBB2_2-.Ltmp0, $4  }
0x25: {  	[sflag:s11] =	ssyncadd.s32 $0xFFFF9C00  }
0x26: {  	[hbm4b:s13+s2] =	stream.linear.scatter [tilespmem:s10], [sflag:$0x2], $0x6400, $0x38;
	[tilespmem:$0x1A600] =	vst v63  }
0x27: {  	_ =	swait.ge [sflag:s8], $0x6400  }
0x28: {  	s15 =	smov.u32 s17;
	s13 =	sadd.s32 $0xC80, s13;
	[sflag:s8] =	ssyncset.done $0x0  }
0x29: {  	s14 =	sshra.s32 s14, $0x2;
	[sflag:s8] =	ssyncadd.s32 $0xFFFF9C00  }
0x2a: {  	[tilespmem:s10], [sflag:$0x1] =	stream.indirect.gather [spmem:s1], $0x80, s14, s9, $0xb8;
	[tilespmem:$0x1A600] =	vst v63  }
0x2b: {  	s12 =	sadd.s32 $0x1, s12;
	_ =	swait.ge [sflag:s11], $0x6400  }
0x2c: {  	p1 =	sne.s32 s12, s5;
	[sflag:s11] =	ssyncset.done $0x0  }
.Ltmp1:
0x2d: {  	[sflag:s11] =	ssyncadd.s32 $0xFFFF9C00;
	(pc) =	sbr.rel @p1 .LBB2_1-.Ltmp1, $4  }
0x2e: {  	[hbm4b:s13+s2] =	stream.linear.scatter [tilespmem:s10], [sflag:$0x2], $0x6400, $0x38;
	[tilespmem:$0x1A600] =	vst v63  }
0x2f: {  	_ =	swait.ge [sflag:s8], $0x6400  }
0x30: {  	[sflag:s8] =	ssyncset.done $0x0  }
0x31: {  	[sflag:s8] =	ssyncadd.s32 $0xFFFF9C00  }
0x32: {  	_ =	sfence.sel $0x180000  }
0x33: {  	[bflag:$0x0] =	sbarrier.arrive $0xFFFF  }
0x34: {  	_ =	strace $0x90000053  }
0x35: {  	s0 =	sadd.s32 @!p0 $0x100000, s0;
	[bflag:$0x2] =	sbarrier.arrive $0xFFFF  }
0x36: {  	[sflag:s0] =	ssyncadd.tile.s32 @!p0 $0x1;
	_ =	shalt  }
.Lfunc_end2:
_tile_overlayer_lowered:
.L_overlay_start_2:
0x37: {  	(tag) =	ssettag $0x2  }
0x38: {  	s0 =	rddreg [dreg:$0x0];
	s2 =	stileid.u32  }
0x39: {  	s1 =	rddreg [dreg:$0x1];
	p0 =	sne.s32 s2, $0x0  }
0x3a: {  	s3 =	rddreg [dreg:$0x2];
	[bflag:$0x3] =	sbarrier.arrive $0xFFFF;
	s2 =	simm.s32 @!p0 $0x1C02  }
0x3b: {  	[timem:s3], [sflag:s2] =	dma.local @!p0 [hbm:s0], s1  }
0x3c: {  	s0 =	simm.s32 @!p0 $0x2  }
0x3d: {  	_ =	swait.ge @!p0 [sflag:s0], s1  }
0x3e: {  	s1 =	ssub.s32 @!p0 $0x0, s1;
	[sflag:s0] =	ssyncset.done @!p0 $0x0  }
0x3f: {  	[sflag:s0] =	ssyncadd.s32 @!p0 s1  }
0x40: {  	[bflag:$0x3] =	sbarrier.arrive $0xFFFF  }
0x41: {  	_ =	shalt  }

</sc_bundles>
